<compile_context>
chip_gen: v7x
topology: tpu7x:2x2x1
jax: 0.10.2.dev20260603
libtpu: 0.0.44.dev20260713+nightly
codegen_flags: <defaults>
</compile_context>

<pallas_src>
import functools

import jax
import jax.numpy as jnp
from jax import lax
from jax.experimental import pallas as pl
from jax.experimental.pallas import tpu as pltpu
from jax.experimental.pallas import tpu_sc as plsc

_LANES = 16


def _build_mask_kernel(n_rows: int, n_sel: int):
    info = plsc.get_sparse_core_info()
    num_cores, num_subcores = info.num_cores, info.num_subcores
    nw = num_cores * num_subcores
    per_w = n_rows // nw
    rows_w = per_w // 128
    mesh = plsc.VectorSubcoreMesh(core_axis_name="c", subcore_axis_name="s")

    @functools.partial(
        pl.kernel,
        mesh=mesh,
        out_type=jax.ShapeDtypeStruct((n_rows // 128, 128), jnp.float32),
        scratch_types=[
            pltpu.VMEM((n_sel,), jnp.int32),
            pltpu.VMEM((rows_w, 128), jnp.float32),
            pltpu.SemaphoreType.DMA,
            pltpu.SemaphoreType.DMA,
        ],
        compiler_params=pltpu.CompilerParams(needs_layout_passes=False),
    )
    def mask_kernel(sel_hbm, zeros_hbm, out_hbm, sel_v, mask_v, sem_z, sem_s):
        wid = lax.axis_index("s") * num_cores + lax.axis_index("c")
        lo = wid * per_w
        zc = pltpu.async_copy(zeros_hbm, mask_v, sem_z)
        sc = pltpu.async_copy(sel_hbm, sel_v, sem_s)
        zc.wait()
        sc.wait()

        ones = jnp.ones((_LANES,), jnp.float32)

        @plsc.parallel_loop(0, n_sel // _LANES, unroll=16)
        def scatter_body(i):
            idx = sel_v[pl.ds(i * _LANES, _LANES)]
            local = idx - lo
            in_range = (local >= 0) & (local < per_w)
            safe = jnp.where(in_range, local, 0)
            row = lax.shift_right_logical(safe, 7)
            col = safe & 127
            plsc.store_scatter(mask_v, [row, col], ones, mask=in_range)

        pltpu.sync_copy(mask_v, out_hbm.at[pl.ds(wid * rows_w, rows_w)])

    return mask_kernel


def _apply_body(d_ref, m_ref, s_ref, o_ref):
    noise = 0.5 * s_ref[...]
    ones = jnp.ones(s_ref.shape, jnp.float32)
    for g in range(m_ref.shape[0]):
        mb = lax.dot_general(
            m_ref[g : g + 1, :],
            ones,
            (((0,), (0,)), ((), ())),
            preferred_element_type=jnp.float32,
        )
        rows = pl.ds(g * 128, 128)
        o_ref[rows, :] = d_ref[rows, :] + mb * noise


def kernel(data, selection, samples):
    n_rows, n_samples = data.shape
    sel = selection.astype(jnp.int32)
    info = plsc.get_sparse_core_info()
    nw = info.num_cores * info.num_subcores
    zeros = jnp.zeros((n_rows // (nw * 128), 128), jnp.float32)
    mask = _build_mask_kernel(n_rows, sel.shape[0])(sel, zeros)

    rows_per_block = 4096
    grid = (n_rows // rows_per_block,)
    return pl.pallas_call(
        _apply_body,
        grid=grid,
        compiler_params=pltpu.CompilerParams(vmem_limit_bytes=128 * 1024 * 1024),
        in_specs=[
            pl.BlockSpec((rows_per_block, n_samples), lambda i: (i, 0)),
            pl.BlockSpec((rows_per_block // 128, 128), lambda i: (i, 0)),
            pl.BlockSpec((1, n_samples), lambda i: (0, 0)),
        ],
        out_specs=pl.BlockSpec((rows_per_block, n_samples), lambda i: (i, 0)),
        out_shape=jax.ShapeDtypeStruct((n_rows, n_samples), data.dtype),
    )(data, mask, samples.reshape(1, n_samples))

# --- scband reference (transcript-rebuilt; emitter-appended) ---
"""Pipeline reference for scband-white-noise-1803886265693 (READ-ONLY COPY).

The authoritative reference and input builder live on the scoring server;
editing this copy changes nothing except your own understanding.
"""

import jax, jax.numpy as jnp
import numpy as np

N_TS = 131072
NUM_SAMPLES = 512
F = 8192
AMPLITUDE = 0.5


def setup_inputs(seed: int = 0) -> dict:
    key = jax.random.key(seed)
    k_data, k_samples = jax.random.split(key)
    data = jax.random.normal(k_data, (N_TS, NUM_SAMPLES), dtype=jnp.float32)
    # np.random.choice(n_ts, f, replace=False) -> unique indices
    rng = np.random.default_rng(0)
    selection = jnp.asarray(rng.permutation(N_TS)[:F].astype(np.int64))
    # np.random.normal(0, 1, num_samples)
    samples = jax.random.normal(k_samples, (NUM_SAMPLES,), dtype=jnp.float32)
    return {"data": data, "selection": selection, "samples": samples}


def reference(data, selection, samples):
    # p=1.0 so the noise branch is always taken
    data_to_add = data[selection, :]                      # gather  [F, NUM_SAMPLES]
    oscillating_data = data_to_add + AMPLITUDE * samples  # broadcast add
    out = data.at[selection, :].set(oscillating_data)     # scatter-overwrite
    return out

if __name__ == "__main__":
    import jax
    _d = setup_inputs()
    print(jax.jit(kernel)(*tuple(_d.values())))

</pallas_src>

<mosaic_0001>
#map = affine_map<(d0, d1) -> (0)>
#map1 = affine_map<(d0, d1) -> (0, 0)>
module attributes {stable_mosaic.version = 14 : i64} {
  func.func @mask_kernel(%arg0: i32, %arg1: i32, %arg2: memref<8192xi32, #tpu.memory_space<hbm>>, %arg3: memref<32x128xf32, #tpu.memory_space<hbm>>, %arg4: memref<1024x128xf32, #tpu.memory_space<hbm>>, %arg5: memref<8192xi32, #tpu.memory_space<vmem>>, %arg6: memref<32x128xf32, #tpu.memory_space<vmem>>, %arg7: memref<!tpu.dma_semaphore, #tpu.memory_space<semaphore_mem>>, %arg8: memref<!tpu.dma_semaphore, #tpu.memory_space<semaphore_mem>>) attributes {dimension_semantics = [#tpu.dimension_semantics<core_parallel>, #tpu.dimension_semantics<subcore_parallel>], iteration_bounds = array<i64: 2, 16>, scalar_prefetch = 0 : i64, scratch_operands = 4 : i64, tpu.core_type = #tpu.core_type<sc_vector_subcore>, window_params = [{transform_indices = #map}, {transform_indices = #map1}, {transform_indices = #map1}]} {
    %mul3A = arith.constant 2 : i32
    %mul3A_0 = arith.muli %arg1, %mul3A : i32
    %add3A = arith.addi %mul3A_0, %arg0 : i32
    %mul3A_1 = arith.constant 4096 : i32
    %mul3A_2 = arith.muli %add3A, %mul3A_1 : i32
    tpu.enqueue_dma source(%arg3 : memref<32x128xf32, #tpu.memory_space<hbm>>) target(%arg6 : memref<32x128xf32, #tpu.memory_space<vmem>>) target_semaphore(%arg7 : memref<!tpu.dma_semaphore, #tpu.memory_space<semaphore_mem>>)
    tpu.enqueue_dma source(%arg2 : memref<8192xi32, #tpu.memory_space<hbm>>) target(%arg5 : memref<8192xi32, #tpu.memory_space<vmem>>) target_semaphore(%arg8 : memref<!tpu.dma_semaphore, #tpu.memory_space<semaphore_mem>>)
    tpu.wait_dma2 semaphore(%arg7 : memref<!tpu.dma_semaphore, #tpu.memory_space<semaphore_mem>>) src(%arg3 : memref<32x128xf32, #tpu.memory_space<hbm>>) dst(%arg6 : memref<32x128xf32, #tpu.memory_space<vmem>>)
    tpu.wait_dma2 semaphore(%arg8 : memref<!tpu.dma_semaphore, #tpu.memory_space<semaphore_mem>>) src(%arg2 : memref<8192xi32, #tpu.memory_space<hbm>>) dst(%arg5 : memref<8192xi32, #tpu.memory_space<vmem>>)
    %broadcast_in_dim3A = arith.constant 1.000000e+00 : f32
    %broadcast_in_dim3A_3 = vector.broadcast %broadcast_in_dim3A : f32 to vector<16xf32>
    %parallel_loop3A = arith.constant 0 : i32
    %parallel_loop3A_4 = arith.constant 512 : i32
    %parallel_loop3A_5 = arith.constant 1 : i32
    scf.for %parallel_loop3A_8 = %parallel_loop3A to %parallel_loop3A_4 step %parallel_loop3A_5  : i32 {
      %parallel_loop3A_9 = arith.constant 16 : i32
      %parallel_loop3A_10 = arith.muli %parallel_loop3A_8, %parallel_loop3A_9 : i32
      %parallel_loop3A_11 = arith.index_cast %parallel_loop3A_10 : i32 to index
      %parallel_loop3A_12 = tpu.vector_load %arg5[%parallel_loop3A_11] {strides = array<i32>} : memref<8192xi32, #tpu.memory_space<vmem>>, vector<16xi32>,
      %parallel_loop3A_13 = vector.broadcast %mul3A_2 : i32 to vector<16xi32>
      %parallel_loop3A_14 = arith.subi %parallel_loop3A_12, %parallel_loop3A_13 : vector<16xi32>
      %parallel_loop3A_15 = arith.constant 0 : i32
      %parallel_loop3A_16 = vector.broadcast %parallel_loop3A_15 : i32 to vector<16xi32>
      %parallel_loop3A_17 = arith.cmpi sge, %parallel_loop3A_14, %parallel_loop3A_16 : vector<16xi32>
      %parallel_loop3A_18 = arith.constant 4096 : i32
      %parallel_loop3A_19 = vector.broadcast %parallel_loop3A_18 : i32 to vector<16xi32>
      %parallel_loop3A_20 = arith.cmpi slt, %parallel_loop3A_14, %parallel_loop3A_19 : vector<16xi32>
      %parallel_loop3A_21 = arith.andi %parallel_loop3A_17, %parallel_loop3A_20 : vector<16xi1>
      %parallel_loop3A_22 = arith.constant 0 : i32
      %parallel_loop3A_23 = vector.broadcast %parallel_loop3A_22 : i32 to vector<16xi32>
      %parallel_loop3A_24 = arith.select %parallel_loop3A_21, %parallel_loop3A_14, %parallel_loop3A_23 : vector<16xi1>, vector<16xi32>
      %parallel_loop3A_25 = arith.constant 7 : i32
      %parallel_loop3A_26 = vector.broadcast %parallel_loop3A_25 : i32 to vector<16xi32>
      %parallel_loop3A_27 = arith.shrui %parallel_loop3A_24, %parallel_loop3A_26 : vector<16xi32>
      %parallel_loop3A_28 = arith.constant 127 : i32
      %parallel_loop3A_29 = vector.broadcast %parallel_loop3A_28 : i32 to vector<16xi32>
      %parallel_loop3A_30 = arith.andi %parallel_loop3A_24, %parallel_loop3A_29 : vector<16xi32>
      tpu.vector_store_idx %arg6[%parallel_loop3A_27, %parallel_loop3A_30], %broadcast_in_dim3A_3 masked %parallel_loop3A_21 : memref<32x128xf32, #tpu.memory_space<vmem>>[vector<16xi32>, vector<16xi32>], vector<16xf32>, vector<16xi1>
    } {sc.loop_unroll_factor = 16 : i64, sc.parallel_access}
    %mul3A_6 = arith.constant 32 : i32
    %mul3A_7 = arith.muli %add3A, %mul3A_6 : i32
    "tpu.region"() ({
      %run_scoped3A = tpu.sem_alloc : memref<!tpu.dma_semaphore, #tpu.memory_space<semaphore_mem>>
      %dma_start3A = arith.constant 0 : i32
      %dma_start3A_8 = tpu.memref_slice %arg4[%mul3A_7, %dma_start3A] : memref<1024x128xf32, #tpu.memory_space<hbm>> -> memref<32x128xf32, #tpu.memory_space<hbm>>
      %dma_start3A_9 = arith.constant 0 : i32
      %dma_start3A_10 = tpu.memref_slice %arg4[%mul3A_7, %dma_start3A_9] : memref<1024x128xf32, #tpu.memory_space<hbm>> -> memref<32x128xf32, #tpu.memory_space<hbm>>
      tpu.enqueue_dma source(%arg6 : memref<32x128xf32, #tpu.memory_space<vmem>>) target(%dma_start3A_10 : memref<32x128xf32, #tpu.memory_space<hbm>>) target_semaphore(%run_scoped3A : memref<!tpu.dma_semaphore, #tpu.memory_space<semaphore_mem>>)
      %dma_wait3A = arith.constant 0 : i32
      %dma_wait3A_11 = tpu.memref_slice %arg4[%mul3A_7, %dma_wait3A] : memref<1024x128xf32, #tpu.memory_space<hbm>> -> memref<32x128xf32, #tpu.memory_space<hbm>>
      %dma_wait3A_12 = arith.constant 0 : i32
      %dma_wait3A_13 = tpu.memref_slice %arg4[%mul3A_7, %dma_wait3A_12] : memref<1024x128xf32, #tpu.memory_space<hbm>> -> memref<32x128xf32, #tpu.memory_space<hbm>>
      tpu.wait_dma2 semaphore(%run_scoped3A : memref<!tpu.dma_semaphore, #tpu.memory_space<semaphore_mem>>) src(%arg6 : memref<32x128xf32, #tpu.memory_space<vmem>>) dst(%dma_wait3A_13 : memref<32x128xf32, #tpu.memory_space<hbm>>)
      tpu.yield
    }) : () -> ()
    return
  }
}

module attributes {stable_mosaic.version = 14 : i64} {
  func.func @_apply_body(%arg0: i32, %arg1: memref<4096x512xf32, #tpu.memory_space<vmem>>, %arg2: memref<32x128xf32, #tpu.memory_space<vmem>>, %arg3: memref<1x512xf32, #tpu.memory_space<vmem>>, %arg4: memref<4096x512xf32, #tpu.memory_space<vmem>>) attributes {dimension_semantics = [#tpu.dimension_semantics<arbitrary>], iteration_bounds = array<i64: 32>, scalar_prefetch = 0 : i64, scratch_operands = 0 : i64, tpu.core_type = #tpu.core_type<tc>, window_params = [{transform_indices = @transform_0, window_bounds = array<i64: 4096, 512>}, {transform_indices = @transform_1, window_bounds = array<i64: 32, 128>}, {pipeline_mode = #tpu.pipeline_mode<synchronous>, transform_indices = @transform_2, window_bounds = array<i64: 1, 512>}, {transform_indices = @transform_3, window_bounds = array<i64: 4096, 512>}]} {
    %get3A = arith.constant 0 : index
    %get3A_0 = arith.constant 0 : index
    %get3A_1 = vector.load %arg3[%get3A, %get3A_0] : memref<1x512xf32, #tpu.memory_space<vmem>>, vector<1x512xf32>
    %mul3A = arith.constant 5.000000e-01 : f32
    %mul3A_2 = vector.broadcast %mul3A : f32 to vector<1x512xf32>
    %mul3A_3 = arith.mulf %mul3A_2, %get3A_1 : vector<1x512xf32>
    %broadcast_in_dim3A = arith.constant 1.000000e+00 : f32
    %broadcast_in_dim3A_4 = vector.broadcast %broadcast_in_dim3A : f32 to vector<1x512xf32>
    %get3A_5 = arith.constant 0 : index
    %get3A_6 = arith.constant 0 : index
    %get3A_7 = vector.load %arg2[%get3A_5, %get3A_6] : memref<32x128xf32, #tpu.memory_space<vmem>>, vector<1x128xf32>
    %dot_general3A = arith.constant dense<0.000000e+00> : vector<128x512xf32>
    %dot_general3A_8 = tpu.matmul %get3A_7, %broadcast_in_dim3A_4, %dot_general3A {dimension_numbers = #tpu.dot_dimension_numbers<[0], [0], [1], [1], [0, 1, 1, 1], [], []>, transpose_lhs_hint = false} : vector<1x128xf32>, vector<1x512xf32>, vector<128x512xf32> -> vector<128x512xf32>
    %get3A_9 = arith.constant 0 : index
    %get3A_10 = arith.constant 0 : index
    %get3A_11 = vector.load %arg1[%get3A_9, %get3A_10] : memref<4096x512xf32, #tpu.memory_space<vmem>>, vector<128x512xf32>
    %mul3A_12 = vector.broadcast %mul3A_3 : vector<1x512xf32> to vector<128x512xf32>
    %mul3A_13 = arith.mulf %dot_general3A_8, %mul3A_12 : vector<128x512xf32>
    %add3A = arith.addf %get3A_11, %mul3A_13 : vector<128x512xf32>
    %swap3A = arith.constant 0 : index
    %swap3A_14 = arith.constant 0 : index
    %swap3A_15 = vector.load %arg4[%swap3A, %swap3A_14] : memref<4096x512xf32, #tpu.memory_space<vmem>>, vector<128x512xf32>
    tpu.vector_store %arg4[%swap3A, %swap3A_14], %add3A {strides = array<i32>} : memref<4096x512xf32, #tpu.memory_space<vmem>>, vector<128x512xf32>,
    %get3A_16 = arith.constant 1 : index
    %get3A_17 = arith.constant 0 : index
    %get3A_18 = vector.load %arg2[%get3A_16, %get3A_17] : memref<32x128xf32, #tpu.memory_space<vmem>>, vector<1x128xf32>
    %dot_general3A_19 = arith.constant dense<0.000000e+00> : vector<128x512xf32>
    %dot_general3A_20 = tpu.matmul %get3A_18, %broadcast_in_dim3A_4, %dot_general3A_19 {dimension_numbers = #tpu.dot_dimension_numbers<[0], [0], [1], [1], [0, 1, 1, 1], [], []>, transpose_lhs_hint = false} : vector<1x128xf32>, vector<1x512xf32>, vector<128x512xf32> -> vector<128x512xf32>
    %get3A_21 = arith.constant 128 : index
    %get3A_22 = arith.constant 0 : index
    %get3A_23 = vector.load %arg1[%get3A_21, %get3A_22] : memref<4096x512xf32, #tpu.memory_space<vmem>>, vector<128x512xf32>
    %mul3A_24 = vector.broadcast %mul3A_3 : vector<1x512xf32> to vector<128x512xf32>
    %mul3A_25 = arith.mulf %dot_general3A_20, %mul3A_24 : vector<128x512xf32>
    %add3A_26 = arith.addf %get3A_23, %mul3A_25 : vector<128x512xf32>
    %swap3A_27 = arith.constant 128 : index
    %swap3A_28 = arith.constant 0 : index
    %swap3A_29 = vector.load %arg4[%swap3A_27, %swap3A_28] : memref<4096x512xf32, #tpu.memory_space<vmem>>, vector<128x512xf32>
    tpu.vector_store %arg4[%swap3A_27, %swap3A_28], %add3A_26 {strides = array<i32>} : memref<4096x512xf32, #tpu.memory_space<vmem>>, vector<128x512xf32>,
    %get3A_30 = arith.constant 2 : index
    %get3A_31 = arith.constant 0 : index
    %get3A_32 = vector.load %arg2[%get3A_30, %get3A_31] : memref<32x128xf32, #tpu.memory_space<vmem>>, vector<1x128xf32>
    %dot_general3A_33 = arith.constant dense<0.000000e+00> : vector<128x512xf32>
    %dot_general3A_34 = tpu.matmul %get3A_32, %broadcast_in_dim3A_4, %dot_general3A_33 {dimension_numbers = #tpu.dot_dimension_numbers<[0], [0], [1], [1], [0, 1, 1, 1], [], []>, transpose_lhs_hint = false} : vector<1x128xf32>, vector<1x512xf32>, vector<128x512xf32> -> vector<128x512xf32>
    %get3A_35 = arith.constant 256 : index
    %get3A_36 = arith.constant 0 : index
    %get3A_37 = vector.load %arg1[%get3A_35, %get3A_36] : memref<4096x512xf32, #tpu.memory_space<vmem>>, vector<128x512xf32>
    %mul3A_38 = vector.broadcast %mul3A_3 : vector<1x512xf32> to vector<128x512xf32>
    %mul3A_39 = arith.mulf %dot_general3A_34, %mul3A_38 : vector<128x512xf32>
    %add3A_40 = arith.addf %get3A_37, %mul3A_39 : vector<128x512xf32>
    %swap3A_41 = arith.constant 256 : index
    %swap3A_42 = arith.constant 0 : index
    %swap3A_43 = vector.load %arg4[%swap3A_41, %swap3A_42] : memref<4096x512xf32, #tpu.memory_space<vmem>>, vector<128x512xf32>
    tpu.vector_store %arg4[%swap3A_41, %swap3A_42], %add3A_40 {strides = array<i32>} : memref<4096x512xf32, #tpu.memory_space<vmem>>, vector<128x512xf32>,
    %get3A_44 = arith.constant 3 : index
    %get3A_45 = arith.constant 0 : index
    %get3A_46 = vector.load %arg2[%get3A_44, %get3A_45] : memref<32x128xf32, #tpu.memory_space<vmem>>, vector<1x128xf32>
    %dot_general3A_47 = arith.constant dense<0.000000e+00> : vector<128x512xf32>
    %dot_general3A_48 = tpu.matmul %get3A_46, %broadcast_in_dim3A_4, %dot_general3A_47 {dimension_numbers = #tpu.dot_dimension_numbers<[0], [0], [1], [1], [0, 1, 1, 1], [], []>, transpose_lhs_hint = false} : vector<1x128xf32>, vector<1x512xf32>, vector<128x512xf32> -> vector<128x512xf32>
    %get3A_49 = arith.constant 384 : index
    %get3A_50 = arith.constant 0 : index
    %get3A_51 = vector.load %arg1[%get3A_49, %get3A_50] : memref<4096x512xf32, #tpu.memory_space<vmem>>, vector<128x512xf32>
    %mul3A_52 = vector.broadcast %mul3A_3 : vector<1x512xf32> to vector<128x512xf32>
    %mul3A_53 = arith.mulf %dot_general3A_48, %mul3A_52 : vector<128x512xf32>
    %add3A_54 = arith.addf %get3A_51, %mul3A_53 : vector<128x512xf32>
    %swap3A_55 = arith.constant 384 : index
    %swap3A_56 = arith.constant 0 : index
    %swap3A_57 = vector.load %arg4[%swap3A_55, %swap3A_56] : memref<4096x512xf32, #tpu.memory_space<vmem>>, vector<128x512xf32>
    tpu.vector_store %arg4[%swap3A_55, %swap3A_56], %add3A_54 {strides = array<i32>} : memref<4096x512xf32, #tpu.memory_space<vmem>>, vector<128x512xf32>,
    %get3A_58 = arith.constant 4 : index
    %get3A_59 = arith.constant 0 : index
    %get3A_60 = vector.load %arg2[%get3A_58, %get3A_59] : memref<32x128xf32, #tpu.memory_space<vmem>>, vector<1x128xf32>
    %dot_general3A_61 = arith.constant dense<0.000000e+00> : vector<128x512xf32>
    %dot_general3A_62 = tpu.matmul %get3A_60, %broadcast_in_dim3A_4, %dot_general3A_61 {dimension_numbers = #tpu.dot_dimension_numbers<[0], [0], [1], [1], [0, 1, 1, 1], [], []>, transpose_lhs_hint = false} : vector<1x128xf32>, vector<1x512xf32>, vector<128x512xf32> -> vector<128x512xf32>
    %get3A_63 = arith.constant 512 : index
    %get3A_64 = arith.constant 0 : index
    %get3A_65 = vector.load %arg1[%get3A_63, %get3A_64] : memref<4096x512xf32, #tpu.memory_space<vmem>>, vector<128x512xf32>
    %mul3A_66 = vector.broadcast %mul3A_3 : vector<1x512xf32> to vector<128x512xf32>
    %mul3A_67 = arith.mulf %dot_general3A_62, %mul3A_66 : vector<128x512xf32>
    %add3A_68 = arith.addf %get3A_65, %mul3A_67 : vector<128x512xf32>
    %swap3A_69 = arith.constant 512 : index
    %swap3A_70 = arith.constant 0 : index
    %swap3A_71 = vector.load %arg4[%swap3A_69, %swap3A_70] : memref<4096x512xf32, #tpu.memory_space<vmem>>, vector<128x512xf32>
    tpu.vector_store %arg4[%swap3A_69, %swap3A_70], %add3A_68 {strides = array<i32>} : memref<4096x512xf32, #tpu.memory_space<vmem>>, vector<128x512xf32>,
    %get3A_72 = arith.constant 5 : index
    %get3A_73 = arith.constant 0 : index
    %get3A_74 = vector.load %arg2[%get3A_72, %get3A_73] : memref<32x128xf32, #tpu.memory_space<vmem>>, vector<1x128xf32>
    %dot_general3A_75 = arith.constant dense<0.000000e+00> : vector<128x512xf32>
    %dot_general3A_76 = tpu.matmul %get3A_74, %broadcast_in_dim3A_4, %dot_general3A_75 {dimension_numbers = #tpu.dot_dimension_numbers<[0], [0], [1], [1], [0, 1, 1, 1], [], []>, transpose_lhs_hint = false} : vector<1x128xf32>, vector<1x512xf32>, vector<128x512xf32> -> vector<128x512xf32>
    %get3A_77 = arith.constant 640 : index
    %get3A_78 = arith.constant 0 : index
    %get3A_79 = vector.load %arg1[%get3A_77, %get3A_78] : memref<4096x512xf32, #tpu.memory_space<vmem>>, vector<128x512xf32>
    %mul3A_80 = vector.broadcast %mul3A_3 : vector<1x512xf32> to vector<128x512xf32>
    %mul3A_81 = arith.mulf %dot_general3A_76, %mul3A_80 : vector<128x512xf32>
    %add3A_82 = arith.addf %get3A_79, %mul3A_81 : vector<128x512xf32>
    %swap3A_83 = arith.constant 640 : index
    %swap3A_84 = arith.constant 0 : index
    %swap3A_85 = vector.load %arg4[%swap3A_83, %swap3A_84] : memref<4096x512xf32, #tpu.memory_space<vmem>>, vector<128x512xf32>
    tpu.vector_store %arg4[%swap3A_83, %swap3A_84], %add3A_82 {strides = array<i32>} : memref<4096x512xf32, #tpu.memory_space<vmem>>, vector<128x512xf32>,
    %get3A_86 = arith.constant 6 : index
    %get3A_87 = arith.constant 0 : index
    %get3A_88 = vector.load %arg2[%get3A_86, %get3A_87] : memref<32x128xf32, #tpu.memory_space<vmem>>, vector<1x128xf32>
    %dot_general3A_89 = arith.constant dense<0.000000e+00> : vector<128x512xf32>
    %dot_general3A_90 = tpu.matmul %get3A_88, %broadcast_in_dim3A_4, %dot_general3A_89 {dimension_numbers = #tpu.dot_dimension_numbers<[0], [0], [1], [1], [0, 1, 1, 1], [], []>, transpose_lhs_hint = false} : vector<1x128xf32>, vector<1x512xf32>, vector<128x512xf32> -> vector<128x512xf32>
    %get3A_91 = arith.constant 768 : index
    %get3A_92 = arith.constant 0 : index
    %get3A_93 = vector.load %arg1[%get3A_91, %get3A_92] : memref<4096x512xf32, #tpu.memory_space<vmem>>, vector<128x512xf32>
    %mul3A_94 = vector.broadcast %mul3A_3 : vector<1x512xf32> to vector<128x512xf32>
    %mul3A_95 = arith.mulf %dot_general3A_90, %mul3A_94 : vector<128x512xf32>
    %add3A_96 = arith.addf %get3A_93, %mul3A_95 : vector<128x512xf32>
    %swap3A_97 = arith.constant 768 : index
    %swap3A_98 = arith.constant 0 : index
    %swap3A_99 = vector.load %arg4[%swap3A_97, %swap3A_98] : memref<4096x512xf32, #tpu.memory_space<vmem>>, vector<128x512xf32>
    tpu.vector_store %arg4[%swap3A_97, %swap3A_98], %add3A_96 {strides = array<i32>} : memref<4096x512xf32, #tpu.memory_space<vmem>>, vector<128x512xf32>,
    %get3A_100 = arith.constant 7 : index
    %get3A_101 = arith.constant 0 : index
    %get3A_102 = vector.load %arg2[%get3A_100, %get3A_101] : memref<32x128xf32, #tpu.memory_space<vmem>>, vector<1x128xf32>
    %dot_general3A_103 = arith.constant dense<0.000000e+00> : vector<128x512xf32>
    %dot_general3A_104 = tpu.matmul %get3A_102, %broadcast_in_dim3A_4, %dot_general3A_103 {dimension_numbers = #tpu.dot_dimension_numbers<[0], [0], [1], [1], [0, 1, 1, 1], [], []>, transpose_lhs_hint = false} : vector<1x128xf32>, vector<1x512xf32>, vector<128x512xf32> -> vector<128x512xf32>
    %get3A_105 = arith.constant 896 : index
    %get3A_106 = arith.constant 0 : index
    %get3A_107 = vector.load %arg1[%get3A_105, %get3A_106] : memref<4096x512xf32, #tpu.memory_space<vmem>>, vector<128x512xf32>
    %mul3A_108 = vector.broadcast %mul3A_3 : vector<1x512xf32> to vector<128x512xf32>
    %mul3A_109 = arith.mulf %dot_general3A_104, %mul3A_108 : vector<128x512xf32>
    %add3A_110 = arith.addf %get3A_107, %mul3A_109 : vector<128x512xf32>
    %swap3A_111 = arith.constant 896 : index
    %swap3A_112 = arith.constant 0 : index
    %swap3A_113 = vector.load %arg4[%swap3A_111, %swap3A_112] : memref<4096x512xf32, #tpu.memory_space<vmem>>, vector<128x512xf32>
    tpu.vector_store %arg4[%swap3A_111, %swap3A_112], %add3A_110 {strides = array<i32>} : memref<4096x512xf32, #tpu.memory_space<vmem>>, vector<128x512xf32>,
    %get3A_114 = arith.constant 8 : index
    %get3A_115 = arith.constant 0 : index
    %get3A_116 = vector.load %arg2[%get3A_114, %get3A_115] : memref<32x128xf32, #tpu.memory_space<vmem>>, vector<1x128xf32>
    %dot_general3A_117 = arith.constant dense<0.000000e+00> : vector<128x512xf32>
    %dot_general3A_118 = tpu.matmul %get3A_116, %broadcast_in_dim3A_4, %dot_general3A_117 {dimension_numbers = #tpu.dot_dimension_numbers<[0], [0], [1], [1], [0, 1, 1, 1], [], []>, transpose_lhs_hint = false} : vector<1x128xf32>, vector<1x512xf32>, vector<128x512xf32> -> vector<128x512xf32>
    %get3A_119 = arith.constant 1024 : index
    %get3A_120 = arith.constant 0 : index
    %get3A_121 = vector.load %arg1[%get3A_119, %get3A_120] : memref<4096x512xf32, #tpu.memory_space<vmem>>, vector<128x512xf32>
    %mul3A_122 = vector.broadcast %mul3A_3 : vector<1x512xf32> to vector<128x512xf32>
    %mul3A_123 = arith.mulf %dot_general3A_118, %mul3A_122 : vector<128x512xf32>
    %add3A_124 = arith.addf %get3A_121, %mul3A_123 : vector<128x512xf32>
    %swap3A_125 = arith.constant 1024 : index
    %swap3A_126 = arith.constant 0 : index
    %swap3A_127 = vector.load %arg4[%swap3A_125, %swap3A_126] : memref<4096x512xf32, #tpu.memory_space<vmem>>, vector<128x512xf32>
    tpu.vector_store %arg4[%swap3A_125, %swap3A_126], %add3A_124 {strides = array<i32>} : memref<4096x512xf32, #tpu.memory_space<vmem>>, vector<128x512xf32>,
    %get3A_128 = arith.constant 9 : index
    %get3A_129 = arith.constant 0 : index
    %get3A_130 = vector.load %arg2[%get3A_128, %get3A_129] : memref<32x128xf32, #tpu.memory_space<vmem>>, vector<1x128xf32>
    %dot_general3A_131 = arith.constant dense<0.000000e+00> : vector<128x512xf32>
    %dot_general3A_132 = tpu.matmul %get3A_130, %broadcast_in_dim3A_4, %dot_general3A_131 {dimension_numbers = #tpu.dot_dimension_numbers<[0], [0], [1], [1], [0, 1, 1, 1], [], []>, transpose_lhs_hint = false} : vector<1x128xf32>, vector<1x512xf32>, vector<128x512xf32> -> vector<128x512xf32>
    %get3A_133 = arith.constant 1152 : index
    %get3A_134 = arith.constant 0 : index
    %get3A_135 = vector.load %arg1[%get3A_133, %get3A_134] : memref<4096x512xf32, #tpu.memory_space<vmem>>, vector<128x512xf32>
    %mul3A_136 = vector.broadcast %mul3A_3 : vector<1x512xf32> to vector<128x512xf32>
    %mul3A_137 = arith.mulf %dot_general3A_132, %mul3A_136 : vector<128x512xf32>
    %add3A_138 = arith.addf %get3A_135, %mul3A_137 : vector<128x512xf32>
    %swap3A_139 = arith.constant 1152 : index
    %swap3A_140 = arith.constant 0 : index
    %swap3A_141 = vector.load %arg4[%swap3A_139, %swap3A_140] : memref<4096x512xf32, #tpu.memory_space<vmem>>, vector<128x512xf32>
    tpu.vector_store %arg4[%swap3A_139, %swap3A_140], %add3A_138 {strides = array<i32>} : memref<4096x512xf32, #tpu.memory_space<vmem>>, vector<128x512xf32>,
    %get3A_142 = arith.constant 10 : index
    %get3A_143 = arith.constant 0 : index
    %get3A_144 = vector.load %arg2[%get3A_142, %get3A_143] : memref<32x128xf32, #tpu.memory_space<vmem>>, vector<1x128xf32>
    %dot_general3A_145 = arith.constant dense<0.000000e+00> : vector<128x512xf32>
    %dot_general3A_146 = tpu.matmul %get3A_144, %broadcast_in_dim3A_4, %dot_general3A_145 {dimension_numbers = #tpu.dot_dimension_numbers<[0], [0], [1], [1], [0, 1, 1, 1], [], []>, transpose_lhs_hint = false} : vector<1x128xf32>, vector<1x512xf32>, vector<128x512xf32> -> vector<128x512xf32>
    %get3A_147 = arith.constant 1280 : index
    %get3A_148 = arith.constant 0 : index
    %get3A_149 = vector.load %arg1[%get3A_147, %get3A_148] : memref<4096x512xf32, #tpu.memory_space<vmem>>, vector<128x512xf32>
    %mul3A_150 = vector.broadcast %mul3A_3 : vector<1x512xf32> to vector<128x512xf32>
    %mul3A_151 = arith.mulf %dot_general3A_146, %mul3A_150 : vector<128x512xf32>
    %add3A_152 = arith.addf %get3A_149, %mul3A_151 : vector<128x512xf32>
    %swap3A_153 = arith.constant 1280 : index
    %swap3A_154 = arith.constant 0 : index
    %swap3A_155 = vector.load %arg4[%swap3A_153, %swap3A_154] : memref<4096x512xf32, #tpu.memory_space<vmem>>, vector<128x512xf32>
    tpu.vector_store %arg4[%swap3A_153, %swap3A_154], %add3A_152 {strides = array<i32>} : memref<4096x512xf32, #tpu.memory_space<vmem>>, vector<128x512xf32>,
    %get3A_156 = arith.constant 11 : index
    %get3A_157 = arith.constant 0 : index
    %get3A_158 = vector.load %arg2[%get3A_156, %get3A_157] : memref<32x128xf32, #tpu.memory_space<vmem>>, vector<1x128xf32>
    %dot_general3A_159 = arith.constant dense<0.000000e+00> : vector<128x512xf32>
    %dot_general3A_160 = tpu.matmul %get3A_158, %broadcast_in_dim3A_4, %dot_general3A_159 {dimension_numbers = #tpu.dot_dimension_numbers<[0], [0], [1], [1], [0, 1, 1, 1], [], []>, transpose_lhs_hint = false} : vector<1x128xf32>, vector<1x512xf32>, vector<128x512xf32> -> vector<128x512xf32>
    %get3A_161 = arith.constant 1408 : index
    %get3A_162 = arith.constant 0 : index
    %get3A_163 = vector.load %arg1[%get3A_161, %get3A_162] : memref<4096x512xf32, #tpu.memory_space<vmem>>, vector<128x512xf32>
    %mul3A_164 = vector.broadcast %mul3A_3 : vector<1x512xf32> to vector<128x512xf32>
    %mul3A_165 = arith.mulf %dot_general3A_160, %mul3A_164 : vector<128x512xf32>
    %add3A_166 = arith.addf %get3A_163, %mul3A_165 : vector<128x512xf32>
    %swap3A_167 = arith.constant 1408 : index
    %swap3A_168 = arith.constant 0 : index
    %swap3A_169 = vector.load %arg4[%swap3A_167, %swap3A_168] : memref<4096x512xf32, #tpu.memory_space<vmem>>, vector<128x512xf32>
    tpu.vector_store %arg4[%swap3A_167, %swap3A_168], %add3A_166 {strides = array<i32>} : memref<4096x512xf32, #tpu.memory_space<vmem>>, vector<128x512xf32>,
    %get3A_170 = arith.constant 12 : index
    %get3A_171 = arith.constant 0 : index
    %get3A_172 = vector.load %arg2[%get3A_170, %get3A_171] : memref<32x128xf32, #tpu.memory_space<vmem>>, vector<1x128xf32>
    %dot_general3A_173 = arith.constant dense<0.000000e+00> : vector<128x512xf32>
    %dot_general3A_174 = tpu.matmul %get3A_172, %broadcast_in_dim3A_4, %dot_general3A_173 {dimension_numbers = #tpu.dot_dimension_numbers<[0], [0], [1], [1], [0, 1, 1, 1], [], []>, transpose_lhs_hint = false} : vector<1x128xf32>, vector<1x512xf32>, vector<128x512xf32> -> vector<128x512xf32>
    %get3A_175 = arith.constant 1536 : index
    %get3A_176 = arith.constant 0 : index
    %get3A_177 = vector.load %arg1[%get3A_175, %get3A_176] : memref<4096x512xf32, #tpu.memory_space<vmem>>, vector<128x512xf32>
    %mul3A_178 = vector.broadcast %mul3A_3 : vector<1x512xf32> to vector<128x512xf32>
    %mul3A_179 = arith.mulf %dot_general3A_174, %mul3A_178 : vector<128x512xf32>
    %add3A_180 = arith.addf %get3A_177, %mul3A_179 : vector<128x512xf32>
    %swap3A_181 = arith.constant 1536 : index
    %swap3A_182 = arith.constant 0 : index
    %swap3A_183 = vector.load %arg4[%swap3A_181, %swap3A_182] : memref<4096x512xf32, #tpu.memory_space<vmem>>, vector<128x512xf32>
    tpu.vector_store %arg4[%swap3A_181, %swap3A_182], %add3A_180 {strides = array<i32>} : memref<4096x512xf32, #tpu.memory_space<vmem>>, vector<128x512xf32>,
    %get3A_184 = arith.constant 13 : index
    %get3A_185 = arith.constant 0 : index
    %get3A_186 = vector.load %arg2[%get3A_184, %get3A_185] : memref<32x128xf32, #tpu.memory_space<vmem>>, vector<1x128xf32>
    %dot_general3A_187 = arith.constant dense<0.000000e+00> : vector<128x512xf32>
    %dot_general3A_188 = tpu.matmul %get3A_186, %broadcast_in_dim3A_4, %dot_general3A_187 {dimension_numbers = #tpu.dot_dimension_numbers<[0], [0], [1], [1], [0, 1, 1, 1], [], []>, transpose_lhs_hint = false} : vector<1x128xf32>, vector<1x512xf32>, vector<128x512xf32> -> vector<128x512xf32>
    %get3A_189 = arith.constant 1664 : index
    %get3A_190 = arith.constant 0 : index
    %get3A_191 = vector.load %arg1[%get3A_189, %get3A_190] : memref<4096x512xf32, #tpu.memory_space<vmem>>, vector<128x512xf32>
    %mul3A_192 = vector.broadcast %mul3A_3 : vector<1x512xf32> to vector<128x512xf32>
    %mul3A_193 = arith.mulf %dot_general3A_188, %mul3A_192 : vector<128x512xf32>
    %add3A_194 = arith.addf %get3A_191, %mul3A_193 : vector<128x512xf32>
    %swap3A_195 = arith.constant 1664 : index
    %swap3A_196 = arith.constant 0 : index
    %swap3A_197 = vector.load %arg4[%swap3A_195, %swap3A_196] : memref<4096x512xf32, #tpu.memory_space<vmem>>, vector<128x512xf32>
    tpu.vector_store %arg4[%swap3A_195, %swap3A_196], %add3A_194 {strides = array<i32>} : memref<4096x512xf32, #tpu.memory_space<vmem>>, vector<128x512xf32>,
    %get3A_198 = arith.constant 14 : index
    %get3A_199 = arith.constant 0 : index
    %get3A_200 = vector.load %arg2[%get3A_198, %get3A_199] : memref<32x128xf32, #tpu.memory_space<vmem>>, vector<1x128xf32>
    %dot_general3A_201 = arith.constant dense<0.000000e+00> : vector<128x512xf32>
    %dot_general3A_202 = tpu.matmul %get3A_200, %broadcast_in_dim3A_4, %dot_general3A_201 {dimension_numbers = #tpu.dot_dimension_numbers<[0], [0], [1], [1], [0, 1, 1, 1], [], []>, transpose_lhs_hint = false} : vector<1x128xf32>, vector<1x512xf32>, vector<128x512xf32> -> vector<128x512xf32>
    %get3A_203 = arith.constant 1792 : index
    %get3A_204 = arith.constant 0 : index
    %get3A_205 = vector.load %arg1[%get3A_203, %get3A_204] : memref<4096x512xf32, #tpu.memory_space<vmem>>, vector<128x512xf32>
    %mul3A_206 = vector.broadcast %mul3A_3 : vector<1x512xf32> to vector<128x512xf32>
    %mul3A_207 = arith.mulf %dot_general3A_202, %mul3A_206 : vector<128x512xf32>
    %add3A_208 = arith.addf %get3A_205, %mul3A_207 : vector<128x512xf32>
    %swap3A_209 = arith.constant 1792 : index
    %swap3A_210 = arith.constant 0 : index
    %swap3A_211 = vector.load %arg4[%swap3A_209, %swap3A_210] : memref<4096x512xf32, #tpu.memory_space<vmem>>, vector<128x512xf32>
    tpu.vector_store %arg4[%swap3A_209, %swap3A_210], %add3A_208 {strides = array<i32>} : memref<4096x512xf32, #tpu.memory_space<vmem>>, vector<128x512xf32>,
    %get3A_212 = arith.constant 15 : index
    %get3A_213 = arith.constant 0 : index
    %get3A_214 = vector.load %arg2[%get3A_212, %get3A_213] : memref<32x128xf32, #tpu.memory_space<vmem>>, vector<1x128xf32>
    %dot_general3A_215 = arith.constant dense<0.000000e+00> : vector<128x512xf32>
    %dot_general3A_216 = tpu.matmul %get3A_214, %broadcast_in_dim3A_4, %dot_general3A_215 {dimension_numbers = #tpu.dot_dimension_numbers<[0], [0], [1], [1], [0, 1, 1, 1], [], []>, transpose_lhs_hint = false} : vector<1x128xf32>, vector<1x512xf32>, vector<128x512xf32> -> vector<128x512xf32>
    %get3A_217 = arith.constant 1920 : index
    %get3A_218 = arith.constant 0 : index
    %get3A_219 = vector.load %arg1[%get3A_217, %get3A_218] : memref<4096x512xf32, #tpu.memory_space<vmem>>, vector<128x512xf32>
    %mul3A_220 = vector.broadcast %mul3A_3 : vector<1x512xf32> to vector<128x512xf32>
    %mul3A_221 = arith.mulf %dot_general3A_216, %mul3A_220 : vector<128x512xf32>
    %add3A_222 = arith.addf %get3A_219, %mul3A_221 : vector<128x512xf32>
    %swap3A_223 = arith.constant 1920 : index
    %swap3A_224 = arith.constant 0 : index
    %swap3A_225 = vector.load %arg4[%swap3A_223, %swap3A_224] : memref<4096x512xf32, #tpu.memory_space<vmem>>, vector<128x512xf32>
    tpu.vector_store %arg4[%swap3A_223, %swap3A_224], %add3A_222 {strides = array<i32>} : memref<4096x512xf32, #tpu.memory_space<vmem>>, vector<128x512xf32>,
    %get3A_226 = arith.constant 16 : index
    %get3A_227 = arith.constant 0 : index
    %get3A_228 = vector.load %arg2[%get3A_226, %get3A_227] : memref<32x128xf32, #tpu.memory_space<vmem>>, vector<1x128xf32>
    %dot_general3A_229 = arith.constant dense<0.000000e+00> : vector<128x512xf32>
    %dot_general3A_230 = tpu.matmul %get3A_228, %broadcast_in_dim3A_4, %dot_general3A_229 {dimension_numbers = #tpu.dot_dimension_numbers<[0], [0], [1], [1], [0, 1, 1, 1], [], []>, transpose_lhs_hint = false} : vector<1x128xf32>, vector<1x512xf32>, vector<128x512xf32> -> vector<128x512xf32>
    %get3A_231 = arith.constant 2048 : index
    %get3A_232 = arith.constant 0 : index
    %get3A_233 = vector.load %arg1[%get3A_231, %get3A_232] : memref<4096x512xf32, #tpu.memory_space<vmem>>, vector<128x512xf32>
    %mul3A_234 = vector.broadcast %mul3A_3 : vector<1x512xf32> to vector<128x512xf32>
    %mul3A_235 = arith.mulf %dot_general3A_230, %mul3A_234 : vector<128x512xf32>
    %add3A_236 = arith.addf %get3A_233, %mul3A_235 : vector<128x512xf32>
    %swap3A_237 = arith.constant 2048 : index
    %swap3A_238 = arith.constant 0 : index
    %swap3A_239 = vector.load %arg4[%swap3A_237, %swap3A_238] : memref<4096x512xf32, #tpu.memory_space<vmem>>, vector<128x512xf32>
    tpu.vector_store %arg4[%swap3A_237, %swap3A_238], %add3A_236 {strides = array<i32>} : memref<4096x512xf32, #tpu.memory_space<vmem>>, vector<128x512xf32>,
    %get3A_240 = arith.constant 17 : index
    %get3A_241 = arith.constant 0 : index
    %get3A_242 = vector.load %arg2[%get3A_240, %get3A_241] : memref<32x128xf32, #tpu.memory_space<vmem>>, vector<1x128xf32>
    %dot_general3A_243 = arith.constant dense<0.000000e+00> : vector<128x512xf32>
    %dot_general3A_244 = tpu.matmul %get3A_242, %broadcast_in_dim3A_4, %dot_general3A_243 {dimension_numbers = #tpu.dot_dimension_numbers<[0], [0], [1], [1], [0, 1, 1, 1], [], []>, transpose_lhs_hint = false} : vector<1x128xf32>, vector<1x512xf32>, vector<128x512xf32> -> vector<128x512xf32>
    %get3A_245 = arith.constant 2176 : index
    %get3A_246 = arith.constant 0 : index
    %get3A_247 = vector.load %arg1[%get3A_245, %get3A_246] : memref<4096x512xf32, #tpu.memory_space<vmem>>, vector<128x512xf32>
    %mul3A_248 = vector.broadcast %mul3A_3 : vector<1x512xf32> to vector<128x512xf32>
    %mul3A_249 = arith.mulf %dot_general3A_244, %mul3A_248 : vector<128x512xf32>
    %add3A_250 = arith.addf %get3A_247, %mul3A_249 : vector<128x512xf32>
    %swap3A_251 = arith.constant 2176 : index
    %swap3A_252 = arith.constant 0 : index
    %swap3A_253 = vector.load %arg4[%swap3A_251, %swap3A_252] : memref<4096x512xf32, #tpu.memory_space<vmem>>, vector<128x512xf32>
    tpu.vector_store %arg4[%swap3A_251, %swap3A_252], %add3A_250 {strides = array<i32>} : memref<4096x512xf32, #tpu.memory_space<vmem>>, vector<128x512xf32>,
    %get3A_254 = arith.constant 18 : index
    %get3A_255 = arith.constant 0 : index
    %get3A_256 = vector.load %arg2[%get3A_254, %get3A_255] : memref<32x128xf32, #tpu.memory_space<vmem>>, vector<1x128xf32>
    %dot_general3A_257 = arith.constant dense<0.000000e+00> : vector<128x512xf32>
    %dot_general3A_258 = tpu.matmul %get3A_256, %broadcast_in_dim3A_4, %dot_general3A_257 {dimension_numbers = #tpu.dot_dimension_numbers<[0], [0], [1], [1], [0, 1, 1, 1], [], []>, transpose_lhs_hint = false} : vector<1x128xf32>, vector<1x512xf32>, vector<128x512xf32> -> vector<128x512xf32>
    %get3A_259 = arith.constant 2304 : index
    %get3A_260 = arith.constant 0 : index
    %get3A_261 = vector.load %arg1[%get3A_259, %get3A_260] : memref<4096x512xf32, #tpu.memory_space<vmem>>, vector<128x512xf32>
    %mul3A_262 = vector.broadcast %mul3A_3 : vector<1x512xf32> to vector<128x512xf32>
    %mul3A_263 = arith.mulf %dot_general3A_258, %mul3A_262 : vector<128x512xf32>
    %add3A_264 = arith.addf %get3A_261, %mul3A_263 : vector<128x512xf32>
    %swap3A_265 = arith.constant 2304 : index
    %swap3A_266 = arith.constant 0 : index
    %swap3A_267 = vector.load %arg4[%swap3A_265, %swap3A_266] : memref<4096x512xf32, #tpu.memory_space<vmem>>, vector<128x512xf32>
    tpu.vector_store %arg4[%swap3A_265, %swap3A_266], %add3A_264 {strides = array<i32>} : memref<4096x512xf32, #tpu.memory_space<vmem>>, vector<128x512xf32>,
    %get3A_268 = arith.constant 19 : index
    %get3A_269 = arith.constant 0 : index
    %get3A_270 = vector.load %arg2[%get3A_268, %get3A_269] : memref<32x128xf32, #tpu.memory_space<vmem>>, vector<1x128xf32>
    %dot_general3A_271 = arith.constant dense<0.000000e+00> : vector<128x512xf32>
    %dot_general3A_272 = tpu.matmul %get3A_270, %broadcast_in_dim3A_4, %dot_general3A_271 {dimension_numbers = #tpu.dot_dimension_numbers<[0], [0], [1], [1], [0, 1, 1, 1], [], []>, transpose_lhs_hint = false} : vector<1x128xf32>, vector<1x512xf32>, vector<128x512xf32> -> vector<128x512xf32>
    %get3A_273 = arith.constant 2432 : index
    %get3A_274 = arith.constant 0 : index
    %get3A_275 = vector.load %arg1[%get3A_273, %get3A_274] : memref<4096x512xf32, #tpu.memory_space<vmem>>, vector<128x512xf32>
    %mul3A_276 = vector.broadcast %mul3A_3 : vector<1x512xf32> to vector<128x512xf32>
    %mul3A_277 = arith.mulf %dot_general3A_272, %mul3A_276 : vector<128x512xf32>
    %add3A_278 = arith.addf %get3A_275, %mul3A_277 : vector<128x512xf32>
    %swap3A_279 = arith.constant 2432 : index
    %swap3A_280 = arith.constant 0 : index
    %swap3A_281 = vector.load %arg4[%swap3A_279, %swap3A_280] : memref<4096x512xf32, #tpu.memory_space<vmem>>, vector<128x512xf32>
    tpu.vector_store %arg4[%swap3A_279, %swap3A_280], %add3A_278 {strides = array<i32>} : memref<4096x512xf32, #tpu.memory_space<vmem>>, vector<128x512xf32>,
    %get3A_282 = arith.constant 20 : index
    %get3A_283 = arith.constant 0 : index
    %get3A_284 = vector.load %arg2[%get3A_282, %get3A_283] : memref<32x128xf32, #tpu.memory_space<vmem>>, vector<1x128xf32>
    %dot_general3A_285 = arith.constant dense<0.000000e+00> : vector<128x512xf32>
    %dot_general3A_286 = tpu.matmul %get3A_284, %broadcast_in_dim3A_4, %dot_general3A_285 {dimension_numbers = #tpu.dot_dimension_numbers<[0], [0], [1], [1], [0, 1, 1, 1], [], []>, transpose_lhs_hint = false} : vector<1x128xf32>, vector<1x512xf32>, vector<128x512xf32> -> vector<128x512xf32>
    %get3A_287 = arith.constant 2560 : index
    %get3A_288 = arith.constant 0 : index
    %get3A_289 = vector.load %arg1[%get3A_287, %get3A_288] : memref<4096x512xf32, #tpu.memory_space<vmem>>, vector<128x512xf32>
    %mul3A_290 = vector.broadcast %mul3A_3 : vector<1x512xf32> to vector<128x512xf32>
    %mul3A_291 = arith.mulf %dot_general3A_286, %mul3A_290 : vector<128x512xf32>
    %add3A_292 = arith.addf %get3A_289, %mul3A_291 : vector<128x512xf32>
    %swap3A_293 = arith.constant 2560 : index
    %swap3A_294 = arith.constant 0 : index
    %swap3A_295 = vector.load %arg4[%swap3A_293, %swap3A_294] : memref<4096x512xf32, #tpu.memory_space<vmem>>, vector<128x512xf32>
    tpu.vector_store %arg4[%swap3A_293, %swap3A_294], %add3A_292 {strides = array<i32>} : memref<4096x512xf32, #tpu.memory_space<vmem>>, vector<128x512xf32>,
    %get3A_296 = arith.constant 21 : index
    %get3A_297 = arith.constant 0 : index
    %get3A_298 = vector.load %arg2[%get3A_296, %get3A_297] : memref<32x128xf32, #tpu.memory_space<vmem>>, vector<1x128xf32>
    %dot_general3A_299 = arith.constant dense<0.000000e+00> : vector<128x512xf32>
    %dot_general3A_300 = tpu.matmul %get3A_298, %broadcast_in_dim3A_4, %dot_general3A_299 {dimension_numbers = #tpu.dot_dimension_numbers<[0], [0], [1], [1], [0, 1, 1, 1], [], []>, transpose_lhs_hint = false} : vector<1x128xf32>, vector<1x512xf32>, vector<128x512xf32> -> vector<128x512xf32>
    %get3A_301 = arith.constant 2688 : index
    %get3A_302 = arith.constant 0 : index
    %get3A_303 = vector.load %arg1[%get3A_301, %get3A_302] : memref<4096x512xf32, #tpu.memory_space<vmem>>, vector<128x512xf32>
    %mul3A_304 = vector.broadcast %mul3A_3 : vector<1x512xf32> to vector<128x512xf32>
    %mul3A_305 = arith.mulf %dot_general3A_300, %mul3A_304 : vector<128x512xf32>
    %add3A_306 = arith.addf %get3A_303, %mul3A_305 : vector<128x512xf32>
    %swap3A_307 = arith.constant 2688 : index
    %swap3A_308 = arith.constant 0 : index
    %swap3A_309 = vector.load %arg4[%swap3A_307, %swap3A_308] : memref<4096x512xf32, #tpu.memory_space<vmem>>, vector<128x512xf32>
    tpu.vector_store %arg4[%swap3A_307, %swap3A_308], %add3A_306 {strides = array<i32>} : memref<4096x512xf32, #tpu.memory_space<vmem>>, vector<128x512xf32>,
    %get3A_310 = arith.constant 22 : index
    %get3A_311 = arith.constant 0 : index
    %get3A_312 = vector.load %arg2[%get3A_310, %get3A_311] : memref<32x128xf32, #tpu.memory_space<vmem>>, vector<1x128xf32>
    %dot_general3A_313 = arith.constant dense<0.000000e+00> : vector<128x512xf32>
    %dot_general3A_314 = tpu.matmul %get3A_312, %broadcast_in_dim3A_4, %dot_general3A_313 {dimension_numbers = #tpu.dot_dimension_numbers<[0], [0], [1], [1], [0, 1, 1, 1], [], []>, transpose_lhs_hint = false} : vector<1x128xf32>, vector<1x512xf32>, vector<128x512xf32> -> vector<128x512xf32>
    %get3A_315 = arith.constant 2816 : index
    %get3A_316 = arith.constant 0 : index
    %get3A_317 = vector.load %arg1[%get3A_315, %get3A_316] : memref<4096x512xf32, #tpu.memory_space<vmem>>, vector<128x512xf32>
    %mul3A_318 = vector.broadcast %mul3A_3 : vector<1x512xf32> to vector<128x512xf32>
    %mul3A_319 = arith.mulf %dot_general3A_314, %mul3A_318 : vector<128x512xf32>
    %add3A_320 = arith.addf %get3A_317, %mul3A_319 : vector<128x512xf32>
    %swap3A_321 = arith.constant 2816 : index
    %swap3A_322 = arith.constant 0 : index
    %swap3A_323 = vector.load %arg4[%swap3A_321, %swap3A_322] : memref<4096x512xf32, #tpu.memory_space<vmem>>, vector<128x512xf32>
    tpu.vector_store %arg4[%swap3A_321, %swap3A_322], %add3A_320 {strides = array<i32>} : memref<4096x512xf32, #tpu.memory_space<vmem>>, vector<128x512xf32>,
    %get3A_324 = arith.constant 23 : index
    %get3A_325 = arith.constant 0 : index
    %get3A_326 = vector.load %arg2[%get3A_324, %get3A_325] : memref<32x128xf32, #tpu.memory_space<vmem>>, vector<1x128xf32>
    %dot_general3A_327 = arith.constant dense<0.000000e+00> : vector<128x512xf32>
    %dot_general3A_328 = tpu.matmul %get3A_326, %broadcast_in_dim3A_4, %dot_general3A_327 {dimension_numbers = #tpu.dot_dimension_numbers<[0], [0], [1], [1], [0, 1, 1, 1], [], []>, transpose_lhs_hint = false} : vector<1x128xf32>, vector<1x512xf32>, vector<128x512xf32> -> vector<128x512xf32>
    %get3A_329 = arith.constant 2944 : index
    %get3A_330 = arith.constant 0 : index
    %get3A_331 = vector.load %arg1[%get3A_329, %get3A_330] : memref<4096x512xf32, #tpu.memory_space<vmem>>, vector<128x512xf32>
    %mul3A_332 = vector.broadcast %mul3A_3 : vector<1x512xf32> to vector<128x512xf32>
    %mul3A_333 = arith.mulf %dot_general3A_328, %mul3A_332 : vector<128x512xf32>
    %add3A_334 = arith.addf %get3A_331, %mul3A_333 : vector<128x512xf32>
    %swap3A_335 = arith.constant 2944 : index
    %swap3A_336 = arith.constant 0 : index
    %swap3A_337 = vector.load %arg4[%swap3A_335, %swap3A_336] : memref<4096x512xf32, #tpu.memory_space<vmem>>, vector<128x512xf32>
    tpu.vector_store %arg4[%swap3A_335, %swap3A_336], %add3A_334 {strides = array<i32>} : memref<4096x512xf32, #tpu.memory_space<vmem>>, vector<128x512xf32>,
    %get3A_338 = arith.constant 24 : index
    %get3A_339 = arith.constant 0 : index
    %get3A_340 = vector.load %arg2[%get3A_338, %get3A_339] : memref<32x128xf32, #tpu.memory_space<vmem>>, vector<1x128xf32>
    %dot_general3A_341 = arith.constant dense<0.000000e+00> : vector<128x512xf32>
    %dot_general3A_342 = tpu.matmul %get3A_340, %broadcast_in_dim3A_4, %dot_general3A_341 {dimension_numbers = #tpu.dot_dimension_numbers<[0], [0], [1], [1], [0, 1, 1, 1], [], []>, transpose_lhs_hint = false} : vector<1x128xf32>, vector<1x512xf32>, vector<128x512xf32> -> vector<128x512xf32>
    %get3A_343 = arith.constant 3072 : index
    %get3A_344 = arith.constant 0 : index
    %get3A_345 = vector.load %arg1[%get3A_343, %get3A_344] : memref<4096x512xf32, #tpu.memory_space<vmem>>, vector<128x512xf32>
    %mul3A_346 = vector.broadcast %mul3A_3 : vector<1x512xf32> to vector<128x512xf32>
    %mul3A_347 = arith.mulf %dot_general3A_342, %mul3A_346 : vector<128x512xf32>
    %add3A_348 = arith.addf %get3A_345, %mul3A_347 : vector<128x512xf32>
    %swap3A_349 = arith.constant 3072 : index
    %swap3A_350 = arith.constant 0 : index
    %swap3A_351 = vector.load %arg4[%swap3A_349, %swap3A_350] : memref<4096x512xf32, #tpu.memory_space<vmem>>, vector<128x512xf32>
    tpu.vector_store %arg4[%swap3A_349, %swap3A_350], %add3A_348 {strides = array<i32>} : memref<4096x512xf32, #tpu.memory_space<vmem>>, vector<128x512xf32>,
    %get3A_352 = arith.constant 25 : index
    %get3A_353 = arith.constant 0 : index
    %get3A_354 = vector.load %arg2[%get3A_352, %get3A_353] : memref<32x128xf32, #tpu.memory_space<vmem>>, vector<1x128xf32>
    %dot_general3A_355 = arith.constant dense<0.000000e+00> : vector<128x512xf32>
    %dot_general3A_356 = tpu.matmul %get3A_354, %broadcast_in_dim3A_4, %dot_general3A_355 {dimension_numbers = #tpu.dot_dimension_numbers<[0], [0], [1], [1], [0, 1, 1, 1], [], []>, transpose_lhs_hint = false} : vector<1x128xf32>, vector<1x512xf32>, vector<128x512xf32> -> vector<128x512xf32>
    %get3A_357 = arith.constant 3200 : index
    %get3A_358 = arith.constant 0 : index
    %get3A_359 = vector.load %arg1[%get3A_357, %get3A_358] : memref<4096x512xf32, #tpu.memory_space<vmem>>, vector<128x512xf32>
    %mul3A_360 = vector.broadcast %mul3A_3 : vector<1x512xf32> to vector<128x512xf32>
    %mul3A_361 = arith.mulf %dot_general3A_356, %mul3A_360 : vector<128x512xf32>
    %add3A_362 = arith.addf %get3A_359, %mul3A_361 : vector<128x512xf32>
    %swap3A_363 = arith.constant 3200 : index
    %swap3A_364 = arith.constant 0 : index
    %swap3A_365 = vector.load %arg4[%swap3A_363, %swap3A_364] : memref<4096x512xf32, #tpu.memory_space<vmem>>, vector<128x512xf32>
    tpu.vector_store %arg4[%swap3A_363, %swap3A_364], %add3A_362 {strides = array<i32>} : memref<4096x512xf32, #tpu.memory_space<vmem>>, vector<128x512xf32>,
    %get3A_366 = arith.constant 26 : index
    %get3A_367 = arith.constant 0 : index
    %get3A_368 = vector.load %arg2[%get3A_366, %get3A_367] : memref<32x128xf32, #tpu.memory_space<vmem>>, vector<1x128xf32>
    %dot_general3A_369 = arith.constant dense<0.000000e+00> : vector<128x512xf32>
    %dot_general3A_370 = tpu.matmul %get3A_368, %broadcast_in_dim3A_4, %dot_general3A_369 {dimension_numbers = #tpu.dot_dimension_numbers<[0], [0], [1], [1], [0, 1, 1, 1], [], []>, transpose_lhs_hint = false} : vector<1x128xf32>, vector<1x512xf32>, vector<128x512xf32> -> vector<128x512xf32>
    %get3A_371 = arith.constant 3328 : index
    %get3A_372 = arith.constant 0 : index
    %get3A_373 = vector.load %arg1[%get3A_371, %get3A_372] : memref<4096x512xf32, #tpu.memory_space<vmem>>, vector<128x512xf32>
    %mul3A_374 = vector.broadcast %mul3A_3 : vector<1x512xf32> to vector<128x512xf32>
    %mul3A_375 = arith.mulf %dot_general3A_370, %mul3A_374 : vector<128x512xf32>
    %add3A_376 = arith.addf %get3A_373, %mul3A_375 : vector<128x512xf32>
    %swap3A_377 = arith.constant 3328 : index
    %swap3A_378 = arith.constant 0 : index
    %swap3A_379 = vector.load %arg4[%swap3A_377, %swap3A_378] : memref<4096x512xf32, #tpu.memory_space<vmem>>, vector<128x512xf32>
    tpu.vector_store %arg4[%swap3A_377, %swap3A_378], %add3A_376 {strides = array<i32>} : memref<4096x512xf32, #tpu.memory_space<vmem>>, vector<128x512xf32>,
    %get3A_380 = arith.constant 27 : index
    %get3A_381 = arith.constant 0 : index
    %get3A_382 = vector.load %arg2[%get3A_380, %get3A_381] : memref<32x128xf32, #tpu.memory_space<vmem>>, vector<1x128xf32>
    %dot_general3A_383 = arith.constant dense<0.000000e+00> : vector<128x512xf32>
    %dot_general3A_384 = tpu.matmul %get3A_382, %broadcast_in_dim3A_4, %dot_general3A_383 {dimension_numbers = #tpu.dot_dimension_numbers<[0], [0], [1], [1], [0, 1, 1, 1], [], []>, transpose_lhs_hint = false} : vector<1x128xf32>, vector<1x512xf32>, vector<128x512xf32> -> vector<128x512xf32>
    %get3A_385 = arith.constant 3456 : index
    %get3A_386 = arith.constant 0 : index
    %get3A_387 = vector.load %arg1[%get3A_385, %get3A_386] : memref<4096x512xf32, #tpu.memory_space<vmem>>, vector<128x512xf32>
    %mul3A_388 = vector.broadcast %mul3A_3 : vector<1x512xf32> to vector<128x512xf32>
    %mul3A_389 = arith.mulf %dot_general3A_384, %mul3A_388 : vector<128x512xf32>
    %add3A_390 = arith.addf %get3A_387, %mul3A_389 : vector<128x512xf32>
    %swap3A_391 = arith.constant 3456 : index
    %swap3A_392 = arith.constant 0 : index
    %swap3A_393 = vector.load %arg4[%swap3A_391, %swap3A_392] : memref<4096x512xf32, #tpu.memory_space<vmem>>, vector<128x512xf32>
    tpu.vector_store %arg4[%swap3A_391, %swap3A_392], %add3A_390 {strides = array<i32>} : memref<4096x512xf32, #tpu.memory_space<vmem>>, vector<128x512xf32>,
    %get3A_394 = arith.constant 28 : index
    %get3A_395 = arith.constant 0 : index
    %get3A_396 = vector.load %arg2[%get3A_394, %get3A_395] : memref<32x128xf32, #tpu.memory_space<vmem>>, vector<1x128xf32>
    %dot_general3A_397 = arith.constant dense<0.000000e+00> : vector<128x512xf32>
    %dot_general3A_398 = tpu.matmul %get3A_396, %broadcast_in_dim3A_4, %dot_general3A_397 {dimension_numbers = #tpu.dot_dimension_numbers<[0], [0], [1], [1], [0, 1, 1, 1], [], []>, transpose_lhs_hint = false} : vector<1x128xf32>, vector<1x512xf32>, vector<128x512xf32> -> vector<128x512xf32>
    %get3A_399 = arith.constant 3584 : index
    %get3A_400 = arith.constant 0 : index
    %get3A_401 = vector.load %arg1[%get3A_399, %get3A_400] : memref<4096x512xf32, #tpu.memory_space<vmem>>, vector<128x512xf32>
    %mul3A_402 = vector.broadcast %mul3A_3 : vector<1x512xf32> to vector<128x512xf32>
    %mul3A_403 = arith.mulf %dot_general3A_398, %mul3A_402 : vector<128x512xf32>
    %add3A_404 = arith.addf %get3A_401, %mul3A_403 : vector<128x512xf32>
    %swap3A_405 = arith.constant 3584 : index
    %swap3A_406 = arith.constant 0 : index
    %swap3A_407 = vector.load %arg4[%swap3A_405, %swap3A_406] : memref<4096x512xf32, #tpu.memory_space<vmem>>, vector<128x512xf32>
    tpu.vector_store %arg4[%swap3A_405, %swap3A_406], %add3A_404 {strides = array<i32>} : memref<4096x512xf32, #tpu.memory_space<vmem>>, vector<128x512xf32>,
    %get3A_408 = arith.constant 29 : index
    %get3A_409 = arith.constant 0 : index
    %get3A_410 = vector.load %arg2[%get3A_408, %get3A_409] : memref<32x128xf32, #tpu.memory_space<vmem>>, vector<1x128xf32>
    %dot_general3A_411 = arith.constant dense<0.000000e+00> : vector<128x512xf32>
    %dot_general3A_412 = tpu.matmul %get3A_410, %broadcast_in_dim3A_4, %dot_general3A_411 {dimension_numbers = #tpu.dot_dimension_numbers<[0], [0], [1], [1], [0, 1, 1, 1], [], []>, transpose_lhs_hint = false} : vector<1x128xf32>, vector<1x512xf32>, vector<128x512xf32> -> vector<128x512xf32>
    %get3A_413 = arith.constant 3712 : index
    %get3A_414 = arith.constant 0 : index
    %get3A_415 = vector.load %arg1[%get3A_413, %get3A_414] : memref<4096x512xf32, #tpu.memory_space<vmem>>, vector<128x512xf32>
    %mul3A_416 = vector.broadcast %mul3A_3 : vector<1x512xf32> to vector<128x512xf32>
    %mul3A_417 = arith.mulf %dot_general3A_412, %mul3A_416 : vector<128x512xf32>
    %add3A_418 = arith.addf %get3A_415, %mul3A_417 : vector<128x512xf32>
    %swap3A_419 = arith.constant 3712 : index
    %swap3A_420 = arith.constant 0 : index
    %swap3A_421 = vector.load %arg4[%swap3A_419, %swap3A_420] : memref<4096x512xf32, #tpu.memory_space<vmem>>, vector<128x512xf32>
    tpu.vector_store %arg4[%swap3A_419, %swap3A_420], %add3A_418 {strides = array<i32>} : memref<4096x512xf32, #tpu.memory_space<vmem>>, vector<128x512xf32>,
    %get3A_422 = arith.constant 30 : index
    %get3A_423 = arith.constant 0 : index
    %get3A_424 = vector.load %arg2[%get3A_422, %get3A_423] : memref<32x128xf32, #tpu.memory_space<vmem>>, vector<1x128xf32>
    %dot_general3A_425 = arith.constant dense<0.000000e+00> : vector<128x512xf32>
    %dot_general3A_426 = tpu.matmul %get3A_424, %broadcast_in_dim3A_4, %dot_general3A_425 {dimension_numbers = #tpu.dot_dimension_numbers<[0], [0], [1], [1], [0, 1, 1, 1], [], []>, transpose_lhs_hint = false} : vector<1x128xf32>, vector<1x512xf32>, vector<128x512xf32> -> vector<128x512xf32>
    %get3A_427 = arith.constant 3840 : index
    %get3A_428 = arith.constant 0 : index
    %get3A_429 = vector.load %arg1[%get3A_427, %get3A_428] : memref<4096x512xf32, #tpu.memory_space<vmem>>, vector<128x512xf32>
    %mul3A_430 = vector.broadcast %mul3A_3 : vector<1x512xf32> to vector<128x512xf32>
    %mul3A_431 = arith.mulf %dot_general3A_426, %mul3A_430 : vector<128x512xf32>
    %add3A_432 = arith.addf %get3A_429, %mul3A_431 : vector<128x512xf32>
    %swap3A_433 = arith.constant 3840 : index
    %swap3A_434 = arith.constant 0 : index
    %swap3A_435 = vector.load %arg4[%swap3A_433, %swap3A_434] : memref<4096x512xf32, #tpu.memory_space<vmem>>, vector<128x512xf32>
    tpu.vector_store %arg4[%swap3A_433, %swap3A_434], %add3A_432 {strides = array<i32>} : memref<4096x512xf32, #tpu.memory_space<vmem>>, vector<128x512xf32>,
    %get3A_436 = arith.constant 31 : index
    %get3A_437 = arith.constant 0 : index
    %get3A_438 = vector.load %arg2[%get3A_436, %get3A_437] : memref<32x128xf32, #tpu.memory_space<vmem>>, vector<1x128xf32>
    %dot_general3A_439 = arith.constant dense<0.000000e+00> : vector<128x512xf32>
    %dot_general3A_440 = tpu.matmul %get3A_438, %broadcast_in_dim3A_4, %dot_general3A_439 {dimension_numbers = #tpu.dot_dimension_numbers<[0], [0], [1], [1], [0, 1, 1, 1], [], []>, transpose_lhs_hint = false} : vector<1x128xf32>, vector<1x512xf32>, vector<128x512xf32> -> vector<128x512xf32>
    %get3A_441 = arith.constant 3968 : index
    %get3A_442 = arith.constant 0 : index
    %get3A_443 = vector.load %arg1[%get3A_441, %get3A_442] : memref<4096x512xf32, #tpu.memory_space<vmem>>, vector<128x512xf32>
    %mul3A_444 = vector.broadcast %mul3A_3 : vector<1x512xf32> to vector<128x512xf32>
    %mul3A_445 = arith.mulf %dot_general3A_440, %mul3A_444 : vector<128x512xf32>
    %add3A_446 = arith.addf %get3A_443, %mul3A_445 : vector<128x512xf32>
    %swap3A_447 = arith.constant 3968 : index
    %swap3A_448 = arith.constant 0 : index
    %swap3A_449 = vector.load %arg4[%swap3A_447, %swap3A_448] : memref<4096x512xf32, #tpu.memory_space<vmem>>, vector<128x512xf32>
    tpu.vector_store %arg4[%swap3A_447, %swap3A_448], %add3A_446 {strides = array<i32>} : memref<4096x512xf32, #tpu.memory_space<vmem>>, vector<128x512xf32>,
    return
  }
  func.func @transform_0(%arg0: i32) -> (i32, i32) {
    %c0_i32 = arith.constant 0 : i32
    %c0_i32_0 = arith.constant 0 : i32
    return %arg0, %c0_i32 : i32, i32
  }
  func.func @transform_1(%arg0: i32) -> (i32, i32) {
    %c0_i32 = arith.constant 0 : i32
    %c0_i32_0 = arith.constant 0 : i32
    return %arg0, %c0_i32 : i32, i32
  }
  func.func @transform_2(%arg0: i32) -> (i32, i32) {
    %c0_i32 = arith.constant 0 : i32
    %c0_i32_0 = arith.constant 0 : i32
    %c0_i32_1 = arith.constant 0 : i32
    return %c0_i32, %c0_i32_0 : i32, i32
  }
  func.func @transform_3(%arg0: i32) -> (i32, i32) {
    %c0_i32 = arith.constant 0 : i32
    %c0_i32_0 = arith.constant 0 : i32
    return %arg0, %c0_i32 : i32, i32
  }
}

</mosaic_0001>

<sc_bundles>
// kernel: kernel.4.cloned.1.call-start
scs
__scs_entry_jumppad:
0x0: {  	(pc) =	sbr.rel $0x88, $3  }
0x1: {  	(tag) =	ssettag $0x0;
	lr =	simm.s32 $0x1  }
0x2: {  	[smem:$0x3F9E] =	sst lr;
	_ =	strace $0xD0000000  }
0x3: {  	_ = 	snop  }
0x4: {  	_ = 	snop  }
0x5: {  	_ = 	snop  }
0x6: {  	_ = 	snop  }
0x7: {  	_ = 	snop  }
__scs_overlays_trampoline_lowered:
0x8: {  	[smem:$0x3FAD] =	sst s0  }
0x9: {  	[smem:$0x3FAE] =	sst s1  }
0xa: {  	[smem:$0x3FAF] =	sst s2  }
0xb: {  	[smem:$0x3FB0] =	sst s3  }
0xc: {  	[smem:$0x3FB1] =	sst s4  }
0xd: {  	[smem:$0x3FB2] =	sst s5  }
0xe: {  	[smem:$0x3FB3] =	sst s6  }
0xf: {  	[smem:$0x3FB4] =	sst s7  }
0x10: {  	[smem:$0x3FB5] =	sst s8  }
0x11: {  	[smem:$0x3FB6] =	sst s9;
	s0 =	simm.s32 @!p0 $0x0  }
0x12: {  	s1 =	sld [smem:$0x3F9C];
	s0 =	simm.s32 @p0 $0x1  }
0x13: {  	[smem:$0x3FB7] =	sst s0;
	s0 =	simm.s32 @!p1 $0x0  }
0x14: {  	s2 =	sld [smem:$0x3F9B];
	s0 =	simm.s32 @p1 $0x1  }
0x15: {  	[smem:$0x3FB8] =	sst s0;
	s0 =	simm.s32 @!p2 $0x0  }
0x16: {  	s3 =	sld [smem:$0x3FDB];
	s0 =	simm.s32 @p2 $0x1  }
0x17: {  	s4 =	simm.s32 $0x1BF5;
	[smem:$0x3FBA] =	sst s0  }
0x18: {  	s0 =	sld [smem:$0x3F9D];
	_ =	swait.ge [sflag:s4], $0x0  }
0x19: {  	s7 =	sld [smem:$0x3F9E]  }
0x1a: {  	s8 =	sadd.s32 $0xFFFFE003, lr  }
0x1b: {  	s9 =	sadd.s32 $0xFFFFFEF7, lr;
	s5 =	simm.s32 $0xFFFFFFFF;
	p2 =	slt.u32 s8, $0xFFFFF086  }
0x1c: {  	p1 =	slt.u32 s9, $0xF7A;
	s5 =	simm.s32 @!p2 $0x0  }
0x1d: {  	s5 =	simm.s32 @p1 $0x1;
	p0 =	seq.s32 s7, s2  }
0x1e: {  	s7 =	smul.u32 @!p0 $0xF7A, s2;
	p2 =	seq.s32 @!p0 s5, $0x0  }
0x1f: {  	s9 =	smul.u32 $0xF7A, s1;
	s8 =	simm.s32 @!p0 $0x1BF5;
	p2 =	por !p2, p0  }
0x20: {  	[sflag:s8] =	ssyncset.s32 @!p0 $0xFFFFF086;
	s6 =	sadd.s32 @!p0 s3, s7;
	s7 =	simm.s32 @!p0 $0x108  }
0x21: {  	s3 =	sadd.s32 s3, s9;
	s6 =	sadd.s32 @!p0 $0x88, s6;
	s7 =	simm.s32 @p2 $0x1082  }
0x22: {  	[simem:s7], [sflag:s8] =	dma.local @!p0 [hbm:s6], $0xF7A  }
0x23: {  	s9 =	sor.u32 $0xD0000000, s2;
	s6 =	simm.s32 $0x108;
	_ =	swait.ge @!p0 [sflag:s8], $0x0  }
0x24: {  	s3 =	sadd.s32 $0x88, s3;
	s6 =	simm.s32 @!p1 $0x1082;
	[sflag:s4] =	ssyncset.s32 $0xFFFFF086  }
0x25: {  	[simem:s6], [sflag:s4] =	dma.local [hbm:s3], $0xF7A  }
0x26: {  	[smem:$0x3F9E] =	sst s1;
	(tag) =	ssettag s2;
	_ =	strace s9  }
0x27: {  	s1 =	sld [smem:$0x3FAE]  }
0x28: {  	s2 =	sld [smem:$0x3FAF]  }
0x29: {  	s4 =	sld [smem:$0x3FB1]  }
0x2a: {  	p0 =	seq.s32 s5, $0x0;
	s5 =	sld [smem:$0x3FB2]  }
0x2b: {  	s6 =	sld [smem:$0x3FB3]  }
0x2c: {  	s7 =	sld [smem:$0x3FB4]  }
0x2d: {  	s3 =	simm.s32 $0x108;
	s8 =	sld [smem:$0x3FB5]  }
0x2e: {  	s3 =	simm.s32 @!p0 $0x1082;
	s9 =	sld [smem:$0x3FB6]  }
0x2f: {  	lr =	sadd.s32 s0, s3;
	s0 =	sld [smem:$0x3FAD]  }
0x30: {  	s3 =	sld [smem:$0x3FB0]  }
0x31: {  	[smem:$0x3FB9] =	sst s10  }
0x32: {  	s10 =	sld [smem:$0x3FB7];
	_ =	sdelay $0x3  }
0x33: {  	p0 =	seq.s32 s10, $0x1;
	s10 =	sld [smem:$0x3FB9];
	_ =	sdelay $0x3  }
0x34: {  	[smem:$0x3FB9] =	sst s10  }
0x35: {  	s10 =	sld [smem:$0x3FB8];
	_ =	sdelay $0x3  }
0x36: {  	p1 =	seq.s32 s10, $0x1;
	s10 =	sld [smem:$0x3FB9];
	_ =	sdelay $0x3  }
0x37: {  	[smem:$0x3FB9] =	sst s10  }
0x38: {  	s10 =	sld [smem:$0x3FBA]  }
0x39: {  	_ = 	snop;
	(pc) =	sbr.ind lr, $3  }
0x3a: {  	_ = 	snop  }
0x3b: {  	_ = 	snop  }
0x3c: {  	p2 =	seq.s32 s10, $0x1;
	s10 =	sld [smem:$0x3FB9]  }
0x3d: {  	_ =	shalt  }
0x3e: {  	_ =	shalt  }
0x3f: {  	_ =	shalt  }
0x40: {  	_ =	shalt  }
0x41: {  	_ =	shalt  }
0x42: {  	_ =	shalt  }
0x43: {  	_ =	shalt  }
0x44: {  	_ =	shalt  }
0x45: {  	_ =	shalt  }
0x46: {  	_ =	shalt  }
0x47: {  	_ =	shalt  }
0x48: {  	_ =	shalt  }
0x49: {  	_ =	shalt  }
0x4a: {  	_ =	shalt  }
0x4b: {  	_ =	shalt  }
0x4c: {  	_ =	shalt  }
0x4d: {  	_ =	shalt  }
0x4e: {  	_ =	shalt  }
0x4f: {  	_ =	shalt  }
0x50: {  	_ =	shalt  }
0x51: {  	_ =	shalt  }
0x52: {  	_ =	shalt  }
0x53: {  	_ =	shalt  }
0x54: {  	_ =	shalt  }
0x55: {  	_ =	shalt  }
0x56: {  	_ =	shalt  }
0x57: {  	_ =	shalt  }
0x58: {  	_ =	shalt  }
0x59: {  	_ =	shalt  }
0x5a: {  	_ =	shalt  }
0x5b: {  	_ =	shalt  }
0x5c: {  	_ =	shalt  }
0x5d: {  	_ =	shalt  }
0x5e: {  	_ =	shalt  }
0x5f: {  	_ =	shalt  }
0x60: {  	_ =	shalt  }
0x61: {  	_ =	shalt  }
0x62: {  	_ =	shalt  }
0x63: {  	_ =	shalt  }
0x64: {  	_ =	shalt  }
0x65: {  	_ =	shalt  }
0x66: {  	_ =	shalt  }
0x67: {  	_ =	shalt  }
0x68: {  	_ =	shalt  }
0x69: {  	_ =	shalt  }
0x6a: {  	_ =	shalt  }
0x6b: {  	_ =	shalt  }
0x6c: {  	_ =	shalt  }
0x6d: {  	_ =	shalt  }
0x6e: {  	_ =	shalt  }
0x6f: {  	_ =	shalt  }
0x70: {  	_ =	shalt  }
0x71: {  	_ =	shalt  }
0x72: {  	_ =	shalt  }
0x73: {  	_ =	shalt  }
0x74: {  	_ =	shalt  }
0x75: {  	_ =	shalt  }
0x76: {  	_ =	shalt  }
0x77: {  	_ =	shalt  }
0x78: {  	_ =	shalt  }
0x79: {  	_ =	shalt  }
0x7a: {  	_ =	shalt  }
0x7b: {  	_ =	shalt  }
0x7c: {  	_ =	shalt  }
0x7d: {  	_ =	shalt  }
0x7e: {  	_ =	shalt  }
0x7f: {  	_ =	shalt  }
0x80: {  	_ =	shalt  }
0x81: {  	_ =	shalt  }
0x82: {  	_ =	shalt  }
0x83: {  	_ =	shalt  }
0x84: {  	_ =	shalt  }
0x85: {  	_ =	shalt  }
0x86: {  	_ =	shalt  }
0x87: {  	_ =	shalt  }
.Lfunc_end0:
.L_simem_size_0:
called_computation_lowered:
.L_overlay_start_0:
0x88: {  	s2 =	sld [smem:$0x3FD9]  }
0x89: {  	s3 =	sld [smem:$0x3FFE];
	_ =	sdelay $0x1  }
0x8a: {  	s1 =	srdreg.scid  }
0x8b: {  	s0 =	sand.u32 $0x1, s1  }
0x8c: {  	s17 =	sshll.u32 s0, $0xA;
	s2 =	sadd.s32 s3, s2  }
0x8d: {  	s2 =	sadd.s32 s2, s17  }
0x8e: {  	[smem:$0x3FC5] =	sst s2  }
0x8f: {  	_ = 	snop  }
0x90: {  	s2 =	sld [smem:$0x3FC8]  }
0x91: {  	s18 =	sld [smem:$0x3FD0];
	(tm) =	ssettm $0x1  }
0x92: {  	s4 =	sld [smem:$0x3FFB];
	_ =	sdelay $0x3  }
0x93: {  	_ =	strace s4  }
0x94: {  	s4 =	sld [smem:$0x3FFC];
	_ =	sdelay $0x3  }
0x95: {  	_ =	strace s4  }
0x96: {  	s4 =	sld [smem:$0x3FFD];
	_ =	sdelay $0x3  }
0x97: {  	_ =	strace s4  }
0x98: {  	_ =	strace $0x8FFFFFFF  }
0x99: {  	s19 =	sld [smem:$0x3FDB];
	_ =	sdelay $0x1  }
0x9a: {  	s5 =	simm.s32 $_scs_section_size  }
0x9b: {  	s6 =	simm.s32 $_size__tile_overlayer_lowered;
	s7 =	simm.s32 $_tile_overlayer_lowered  }
0x9c: {  	s22 =	simm.s32 $0x1BFF;
	s21 =	sshll.u32 s7, $0x1;
	s4 =	sadd.s32 s5, s19  }
0x9d: {  	s8 =	simm.s32 $0x0;
	s20 =	sshll.u32 s6, $0x1;
	s6 =	sadd.s32 s21, s4  }
0x9e: {  	[timem:s8], [sflag:s22] =	dma.local [hbm:s6], s20  }
0x9f: {  	_ =	swait.ge [sflag:s22], s20  }
0xa0: {  	s5 =	ssub.s32 $0x0, s20;
	[sflag:s22] =	ssyncset.done $0x0  }
0xa1: {  	[sflag:s22] =	ssyncadd.s32 s5;
	_ =	sdelay $0x1  }
0xa2: {  	s23 =	simm.s32 $0x1B8B  }
0xa3: {  	_ =	swait.ge [sflag:s23], $0x1  }
0xa4: {  	[sflag:s23] =	ssyncset.done $0x0  }
0xa5: {  	s25 =	simm.s32 $0x1B8E;
	s24 =	sld [smem:$0x3FFE];
	[sflag:s23] =	ssyncadd.s32 $0xFFFFFFFF  }
0xa6: {  	s26 =	simm.s32 $execute0_lowered;
	[smem:$0x3FD2] =	sst s25  }
0xa7: {  	s6 =	sshll.u32 s26, $0x1;
	_ =	strace $0x80000046;
	[dreg:$0x1] =	wrdreg $0xFFFFFFFF  }
0xa8: {  	s28 =	simm.s32 $_size_execute0_lowered;
	s4 =	sadd.s32 s4, s6;
	[dreg:$0x0] =	wrdreg $0x0  }
0xa9: {  	s6 =	sshll.u32 s28, $0x1;
	[dreg:$0x2] =	wrdreg s4  }
0xaa: {  	[dreg:$0x3] =	wrdreg s6  }
0xab: {  	[dreg:$0x4] =	wrdreg $0xC0  }
0xac: {  	_ =	task [dreg:s8], $0x5FFFF  }
0xad: {  	[dreg:$0x1] =	wrdreg $0xFFFFFFFF  }
0xae: {  	[dreg:$0x0] =	wrdreg $0x60  }
0xaf: {  	[dreg:$0x2] =	wrdreg s2  }
0xb0: {  	[dreg:$0x3] =	wrdreg s18  }
0xb1: {  	[dreg:$0x4] =	wrdreg s24  }
0xb2: {  	[dreg:$0x5] =	wrdreg $0x9  }
0xb3: {  	_ =	task.clear_ibuf [dreg:s8], $0x6FFFF;
	_ =	strace $0x90000046  }
0xb4: {  	s29 =	simm.s32 $0x9;
	_ =	strace $0x80000048  }
0xb5: {  	_ =	swait.ge [sflag:s29], $0x1  }
0xb6: {  	[sflag:s29] =	ssyncadd.s32 $0xFFFFFFFF  }
0xb7: {  	_ =	strace $0x90000048  }
0xb8: {  	_ =	sfence  }
0xb9: {  	s30 =	sld [smem:$0x0];
	_ =	sdelay $0x2  }
0xba: {  	s31 =	sshll.u32 s1, $0xD;
	s1 =	sshrl.u32 s1, $0x2  }
0xbb: {  	s3 =	sand.u32 $0x4000, s31;
	s1 =	sadd.s32 s1, s30  }
0xbc: {  	s0 =	sor.u32 s3, s0;
	s1 =	sshll.u32 s1, $0x11  }
0xbd: {  	s0 =	sor.u32 s1, s0  }
0xbe: {  	s0 =	sadd.s32 $0x8F2B, s0  }
0xbf: {  	[sflag:s0] =	ssyncadd.remote.s32 $0x1  }
0xc0: {  	_ =	sfence.sel $0xFFFF  }
0xc1: {  	[dreg:$0x0] =	wrdreg $0xFFFFFFFF;
	(pc) =	sbr.abs _section_cstart, $3  }
0xc2: {  	[dreg:$0x1] =	wrdreg $0xFFFFFFFF  }
0xc3: {  	_ =	task.clear_ibuf [dreg:s8], $0x2FFFF;
	_ =	strace $0x9FFFFFFF  }
0xc4: {  	(tm) =	ssettm $0x7FFFFFFF  }
0xc5: {  	_ =	shalt  }
tec
execute0_lowered:
.L_overlay_start_1:
0x0: {  	(tag) =	ssettag $0x1  }
0x1: {  	s1 =	rddreg [dreg:$0x0]  }
0x2: {  	s3 =	rddreg [dreg:$0x1]  }
0x3: {  	s2 =	srdreg.scid;
	s0 =	stileid.u32  }
0x4: {  	s5 =	rddreg [dreg:$0x2];
	s4 =	simm.s32 $0x0;
	s10 =	simm.s32 $0x3  }
0x5: {  	s6 =	sand.u32 $0x1, s2;
	s7 =	sshll.u32 s0, $0x1;
	s2 =	rddreg [dreg:$0x3]  }
0x6: {  	s11 =	simm.s32 $0x0;
	[smem:$0x7FF] =	sst s4;
	s7 =	sor.u32 s6, s7  }
0x7: {  	s6 =	ssub.s32 $0x2, s6;
	_ =	strace $0x80000047;
	s8 =	sshll.u32 s7, $0x9  }
0x8: {  	s31 =	sshrl.u32 s6, $0x1;
	s9 =	sshll.u32 s7, $0xC;
	s7 =	simm.s32 $0x2000  }
0x9: {  	s5 =	sadd.s32 s8, s5;
	s6 =	ssub.s32 s6, s31;
	s8 =	simm.s32 $0x1  }
0xa: {  	v1 =	vimm.f32 $1.000000000e+00;
	v0 =	vmov s9;
	s9 =	simm.s32 $0x2;
	s5 =	sadd.s32 $0x400, s5;
	s6 =	smax.u32 s6, $0x1  }
.LBB2_1:
0xb: {  	[tilespmem:s7], [sflag:$0x1] =	stream.linear.gather [hbm4b:s3+s4], $0x1000, $0x38;
	[tilespmem:$0x3000] =	vst v63  }
0xc: {  	_ = 	snop  }
0xd: {  	[tilespmem:s4], [sflag:$0x2] =	stream.linear.gather [hbm4b:s1+s4], $0x2000, $0x38;
	[tilespmem:$0x3000] =	vst v63  }
0xe: {  	_ =	swait.ge [sflag:s8], $0x1000  }
0xf: {  	[sflag:s8] =	ssyncset.done $0x0  }
0x10: {  	[sflag:s8] =	ssyncadd.s32 $0xFFFFF000  }
0x11: {  	_ =	swait.ge [sflag:s9], $0x2000  }
0x12: {  	[sflag:s9] =	ssyncset.done $0x0  }
0x13: {  	s13 =	simm.s32 $0x80;
	[sflag:s9] =	ssyncadd.s32 $0xFFFFE000  }
0x14: {  	v2 =	vld [tilespmem:s13+$0x70]  }
0x15: {  	v3 =	vld [tilespmem:s13+$0xFFFFFF90]  }
0x16: {  	v4 =	vld [tilespmem:s13+$0xFFFFFFA0]  }
0x17: {  	v5 =	vld [tilespmem:s13+$0xFFFFFFB0]  }
0x18: {  	v6 =	vld [tilespmem:s13+$0xFFFFFFC0]  }
0x19: {  	v7 =	vld [tilespmem:s13+$0xFFFFFFD0];
	v2 =	vsub.s32 v2, v0  }
0x1a: {  	v8 =	vld [tilespmem:s13+$0xFFFFFFE0];
	v3 =	vsub.s32 v3, v0;
	vm3 =	vlt.u32 v2, $0x1000  }
0x1b: {  	v9 =	vld [tilespmem:s13+$0xFFFFFFF0];
	v4 =	vsub.s32 v4, v0;
	vm4 =	vlt.u32 v3, $0x1000;
	v10 =	vnsel vm3, $0x0, v2  }
0x1c: {  	v12 =	vld [tilespmem:s13+$0x0];
	vm5 =	vlt.u32 v4, $0x1000;
	v11 =	vnsel vm4, $0x0, v3;
	v2 =	vsub.s32 v5, v0  }
0x1d: {  	v14 =	vld [tilespmem:s13+$0x10];
	v13 =	vnsel vm5, $0x0, v4;
	v3 =	vsub.s32 v6, v0;
	vm6 =	vlt.u32 v2, $0x1000  }
0x1e: {  	v16 =	vld [tilespmem:s13+$0x20];
	vm2 =	vlt.u32 v3, $0x1000;
	v15 =	vnsel vm6, $0x0, v2;
	v2 =	vsub.s32 v7, v0  }
0x1f: {  	v6 =	vsub.s32 v8, v0;
	v5 =	vld [tilespmem:s13+$0x30];
	v4 =	vnsel vm2, $0x0, v3;
	vm0 =	vlt.u32 v2, $0x1000  }
0x20: {  	v8 =	vsub.s32 v9, v0;
	vm1 =	vlt.u32 v6, $0x1000;
	v3 =	vld [tilespmem:s13+$0x40];
	v2 =	vnsel vm0, $0x0, v2;
	[tilespmem:v10+s7+$0x0] =	vst.idx.msk vm3, v1  }
0x21: {  	v6 =	vnsel vm1, $0x0, v6;
	v7 =	vld [tilespmem:s13+$0x50];
	[tilespmem:v11+s7+$0x0] =	vst.idx.msk vm4, v1;
	vm4 =	vlt.u32 v8, $0x1000;
	v11 =	vsub.s32 v12, v0  }
0x22: {  	v9 =	vld [tilespmem:s13+$0x60];
	[tilespmem:v13+s7+$0x0] =	vst.idx.msk vm5, v1;
	v12 =	vsub.s32 v14, v0;
	v8 =	vnsel vm4, $0x0, v8;
	vm3 =	vlt.u32 v11, $0x1000  }
0x23: {  	s12 =	simm.s32 $0x0;
	v10 =	vld [tilespmem:s13+$0xFFFFFF80];
	v13 =	vsub.s32 v16, v0;
	s13 =	simm.s32 $0x180;
	vm5 =	vlt.u32 v12, $0x1000;
	[tilespmem:v15+s7+$0x0] =	vst.idx.msk vm6, v1;
	v11 =	vnsel vm3, $0x0, v11  }
.LBB2_2:
0x24: {  	v14 =	vld [tilespmem:s13+$0x70];
	s12 =	sadd.s32 $0x10, s12;
	[tilespmem:v4+s7+$0x0] =	vst.idx.msk vm2, v1;
	v4 =	vnsel vm5, $0x0, v12;
	vm2 =	vlt.u32 v13, $0x1000;
	v5 =	vsub.s32 v5, v0  }
0x25: {  	v12 =	vld [tilespmem:s13+$0xFFFFFF90];
	p0 =	slt.u32 s12, $0x1F0;
	[tilespmem:v2+s7+$0x0] =	vst.idx.msk vm0, v1;
	v2 =	vnsel vm2, $0x0, v13;
	vm0 =	vlt.u32 v5, $0x1000;
	v3 =	vsub.s32 v3, v0  }
0x26: {  	v13 =	vld [tilespmem:s13+$0xFFFFFFA0];
	[tilespmem:v6+s7+$0x0] =	vst.idx.msk vm1, v1;
	v5 =	vnsel vm0, $0x0, v5;
	vm6 =	vlt.u32 v3, $0x1000;
	v6 =	vsub.s32 v7, v0  }
0x27: {  	v7 =	vld [tilespmem:s13+$0xFFFFFFB0];
	[tilespmem:v8+s7+$0x0] =	vst.idx.msk vm4, v1;
	v3 =	vnsel vm6, $0x0, v3;
	vm4 =	vlt.u32 v6, $0x1000;
	v8 =	vsub.s32 v9, v0  }
0x28: {  	v9 =	vld [tilespmem:s13+$0xFFFFFFC0];
	v10 =	vsub.s32 v10, v0;
	[tilespmem:v11+s7+$0x0] =	vst.idx.msk vm3, v1;
	v6 =	vnsel vm4, $0x0, v6;
	vm7 =	vlt.u32 v8, $0x1000  }
0x29: {  	v11 =	vld [tilespmem:s13+$0xFFFFFFD0];
	v14 =	vsub.s32 v14, v0;
	vm1 =	vlt.u32 v10, $0x1000;
	[tilespmem:v4+s7+$0x0] =	vst.idx.msk vm5, v1;
	v4 =	vnsel vm7, $0x0, v8  }
0x2a: {  	v8 =	vsub.s32 v12, v0;
	v12 =	vld [tilespmem:s13+$0xFFFFFFE0];
	vm3 =	vlt.u32 v14, $0x1000;
	v10 =	vnsel vm1, $0x0, v10;
	[tilespmem:v2+s7+$0x0] =	vst.idx.msk vm2, v1  }
0x2b: {  	vm5 =	vlt.u32 v8, $0x1000;
	v2 =	vsub.s32 v13, v0;
	v13 =	vld [tilespmem:s13+$0xFFFFFFF0];
	v14 =	vnsel vm3, $0x0, v14;
	[tilespmem:v5+s7+$0x0] =	vst.idx.msk vm0, v1  }
0x2c: {  	v8 =	vnsel vm5, $0x0, v8;
	vm8 =	vlt.u32 v2, $0x1000;
	v5 =	vsub.s32 v7, v0;
	v7 =	vld [tilespmem:s13+$0x0];
	[tilespmem:v3+s7+$0x0] =	vst.idx.msk vm6, v1  }
0x2d: {  	v15 =	vnsel vm8, $0x0, v2;
	vm6 =	vlt.u32 v5, $0x1000;
	v2 =	vsub.s32 v9, v0;
	v9 =	vld [tilespmem:s13+$0x10];
	[tilespmem:v6+s7+$0x0] =	vst.idx.msk vm4, v1  }
0x2e: {  	v16 =	vnsel vm6, $0x0, v5;
	vm2 =	vlt.u32 v2, $0x1000;
	v3 =	vsub.s32 v11, v0;
	v17 =	vld [tilespmem:s13+$0x20];
	[tilespmem:v4+s7+$0x0] =	vst.idx.msk vm7, v1  }
.Ltmp0:
0x2f: {  	v4 =	vnsel vm2, $0x0, v2;
	vm0 =	vlt.u32 v3, $0x1000;
	v6 =	vsub.s32 v12, v0;
	v5 =	vld [tilespmem:s13+$0x30];
	[tilespmem:v10+s7+$0x0] =	vst.idx.msk vm1, v1;
	(pc) =	sbr.rel @p0 .LBB2_2-.Ltmp0, $4  }
0x30: {  	v2 =	vnsel vm0, $0x0, v3;
	vm1 =	vlt.u32 v6, $0x1000;
	v10 =	vsub.s32 v13, v0;
	v3 =	vld [tilespmem:s13+$0x40];
	[tilespmem:v14+s7+$0x0] =	vst.idx.msk vm3, v1  }
0x31: {  	[tilespmem:v8+s7+$0x0] =	vst.idx.msk vm5, v1;
	v6 =	vnsel vm1, $0x0, v6;
	vm4 =	vlt.u32 v10, $0x1000;
	v11 =	vsub.s32 v7, v0;
	v7 =	vld [tilespmem:s13+$0x50]  }
0x32: {  	[tilespmem:v15+s7+$0x0] =	vst.idx.msk vm8, v1;
	v8 =	vnsel vm4, $0x0, v10;
	vm3 =	vlt.u32 v11, $0x1000;
	v12 =	vsub.s32 v9, v0;
	v9 =	vld [tilespmem:s13+$0x60]  }
0x33: {  	v10 =	vld [tilespmem:s13+$0xFFFFFF80];
	[tilespmem:v16+s7+$0x0] =	vst.idx.msk vm6, v1;
	v11 =	vnsel vm3, $0x0, v11;
	vm5 =	vlt.u32 v12, $0x1000;
	v13 =	vsub.s32 v17, v0;
	s13 =	sadd.s32 $0x100, s13  }
0x34: {  	_ =	sdelay $0x4  }
0x35: {  	[tilespmem:v4+s7+$0x0] =	vst.idx.msk vm2, v1;
	v58 =	vnsel vm5, $0x0, v12;
	vm11 =	vlt.u32 v13, $0x1000;
	v5 =	vsub.s32 v5, v0  }
0x36: {  	[tilespmem:v2+s7+$0x0] =	vst.idx.msk vm0, v1;
	v2 =	vnsel vm11, $0x0, v13;
	vm12 =	vlt.u32 v5, $0x1000;
	v3 =	vsub.s32 v3, v0  }
0x37: {  	[tilespmem:v6+s7+$0x0] =	vst.idx.msk vm1, v1;
	v5 =	vnsel vm12, $0x0, v5;
	vm13 =	vlt.u32 v3, $0x1000;
	v59 =	vsub.s32 v7, v0  }
0x38: {  	[tilespmem:v8+s7+$0x0] =	vst.idx.msk vm4, v1;
	v3 =	vnsel vm13, $0x0, v3;
	vm14 =	vlt.u32 v59, $0x1000;
	v60 =	vsub.s32 v9, v0  }
0x39: {  	[tilespmem:v11+s7+$0x0] =	vst.idx.msk vm3, v1;
	v61 =	vsub.s32 v10, v0;
	v6 =	vnsel vm14, $0x0, v59;
	vm15 =	vlt.u32 v60, $0x1000  }
0x3a: {  	vm6 =	vlt.u32 v61, $0x1000;
	[tilespmem:v58+s7+$0x0] =	vst.idx.msk vm5, v1;
	v62 =	vnsel vm15, $0x0, v60  }
0x3b: {  	v63 =	vnsel vm6, $0x0, v61;
	[tilespmem:v2+s7+$0x0] =	vst.idx.msk vm11, v1  }
0x3c: {  	[tilespmem:v5+s7+$0x0] =	vst.idx.msk vm12, v1  }
0x3d: {  	[tilespmem:v3+s7+$0x0] =	vst.idx.msk vm13, v1  }
0x3e: {  	s11 =	sadd.s32 $0x1, s11;
	[tilespmem:v6+s7+$0x0] =	vst.idx.msk vm14, v1  }
0x3f: {  	p0 =	sne.s32 s11, s6;
	[tilespmem:v62+s7+$0x0] =	vst.idx.msk vm15, v1  }
.Ltmp1:
0x40: {  	[tilespmem:v63+s7+$0x0] =	vst.idx.msk vm6, v1;
	(pc) =	sbr.rel @p0 .LBB2_1-.Ltmp1, $4  }
0x41: {  	[hbm4b:s5+s4] =	stream.linear.scatter [tilespmem:s7], [sflag:$0x3], $0x1000, $0x38;
	[tilespmem:$0x3000] =	vst v63  }
0x42: {  	_ =	swait.ge [sflag:s10], $0x1000  }
0x43: {  	[sflag:s10] =	ssyncset.done $0x0  }
0x44: {  	[sflag:s10] =	ssyncadd.s32 $0xFFFFF000  }
0x45: {  	_ =	sfence.sel $0x180000  }
0x46: {  	[bflag:$0x0] =	sbarrier.arrive $0xFFFF  }
0x47: {  	p0 =	sne.s32 s0, $0x0;
	_ =	strace $0x90000047  }
0x48: {  	s0 =	sadd.s32 @!p0 $0x100000, s2;
	[bflag:$0x2] =	sbarrier.arrive $0xFFFF  }
0x49: {  	[sflag:s0] =	ssyncadd.tile.s32 @!p0 $0x1;
	_ =	shalt  }
.Lfunc_end2:
_tile_overlayer_lowered:
.L_overlay_start_2:
0x4a: {  	(tag) =	ssettag $0x2  }
0x4b: {  	s0 =	rddreg [dreg:$0x0];
	s2 =	stileid.u32  }
0x4c: {  	s1 =	rddreg [dreg:$0x1];
	p0 =	sne.s32 s2, $0x0  }
0x4d: {  	s3 =	rddreg [dreg:$0x2];
	[bflag:$0x3] =	sbarrier.arrive $0xFFFF;
	s2 =	simm.s32 @!p0 $0x1C03  }
0x4e: {  	[timem:s3], [sflag:s2] =	dma.local @!p0 [hbm:s0], s1  }
0x4f: {  	s0 =	simm.s32 @!p0 $0x3  }
0x50: {  	_ =	swait.ge @!p0 [sflag:s0], s1  }
0x51: {  	s1 =	ssub.s32 @!p0 $0x0, s1;
	[sflag:s0] =	ssyncset.done @!p0 $0x0  }
0x52: {  	[sflag:s0] =	ssyncadd.s32 @!p0 s1  }
0x53: {  	[bflag:$0x3] =	sbarrier.arrive $0xFFFF  }
0x54: {  	_ =	shalt  }

</sc_bundles>
